<compile_context>
chip_gen: v7x
topology: tpu7x:2x2x1
jax: 0.10.2.dev20260603
libtpu: 0.0.44.dev20260713+nightly
codegen_flags: <defaults>
</compile_context>

<pallas_src>
import functools
import jax
import jax.numpy as jnp
from jax import lax
from jax.experimental import pallas as pl
from jax.experimental.pallas import tpu as pltpu
from jax.experimental.pallas import tpu_sc as plsc

N = 65536
K = 1024
NC = 2
NS = 16
L = 16
NW = NC * NS
CHUNK = N // NW
GROUPS = CHUNK // L

_HALVES = (512, 256, 128, 64, 32, 16, 8, 4, 2, 1)

_mesh = plsc.VectorSubcoreMesh(
    core_axis_name="c", subcore_axis_name="s", num_cores=NC
)


@functools.partial(
    pl.kernel,
    mesh=_mesh,
    out_type=jax.ShapeDtypeStruct((N,), jnp.int32),
    scratch_types=[
        pltpu.VMEM((K,), jnp.float32),
        pltpu.VMEM((K * L,), jnp.float32),
        pltpu.VMEM((CHUNK,), jnp.float32),
        pltpu.VMEM((CHUNK,), jnp.int32),
        pltpu.SemaphoreType.DMA,
        pltpu.SemaphoreType.DMA,
    ],
    compiler_params=pltpu.CompilerParams(needs_layout_passes=False),
)
def _tokenize(value_hbm, embed_hbm, out_hbm, embed_v, erep_v, vals_v, out_v,
              esem, vsem):
    wid = lax.axis_index("s") * NC + lax.axis_index("c")
    base = wid * CHUNK
    edesc = pltpu.make_async_copy(embed_hbm, embed_v, esem)
    vdesc = pltpu.make_async_copy(
        value_hbm.at[pl.ds(base, CHUNK)], vals_v, vsem
    )
    edesc.start()
    vdesc.start()
    edesc.wait()

    zerof = jnp.zeros((L,), jnp.float32)

    @plsc.parallel_loop(0, K // L, unroll=2)
    def bgroup(j):
        ev = embed_v[pl.ds(j * L, L)]
        for t in range(L):
            erep_v[pl.ds(j * (L * L) + t * L, L)] = zerof + ev[t]

    vdesc.wait()

    lane = lax.iota(jnp.int32, L)

    @plsc.parallel_loop(0, GROUPS, unroll=4)
    def group(g):
        v = vals_v[pl.ds(g * L, L)]
        ev511 = plsc.load_gather(erep_v, [lane + 511 * L])
        c = lane + jnp.where(ev511 < v, 512 * L, 0)
        for half in _HALVES[1:]:
            ev = plsc.load_gather(erep_v, [c + (half - 1) * L])
            c = c + jnp.where(ev < v, half * L, 0)
        ec = plsc.load_gather(erep_v, [c])
        i0 = c + jnp.where(ec < v, L, 0)
        ea = plsc.load_gather(erep_v, [jnp.maximum(i0 - L, lane)])
        eb = plsc.load_gather(erep_v, [jnp.minimum(i0, (K - 1) * L + lane)])
        ind = ((v - ea) > (eb - v)) & (i0 < K * L)
        dstar = jnp.where(ind, eb - v, v - ea)
        c2 = lane + jnp.where((v - ev511) > dstar, 512 * L, 0)
        for half in _HALVES[1:]:
            ev = plsc.load_gather(erep_v, [c2 + (half - 1) * L])
            c2 = c2 + jnp.where((v - ev) > dstar, half * L, 0)
        ec2 = plsc.load_gather(erep_v, [c2])
        ans = c2 + jnp.where((v - ec2) > dstar, L, 0)
        out_v[pl.ds(g * L, L)] = jax.lax.shift_right_logical(ans, 4)

    pltpu.sync_copy(out_v, out_hbm.at[pl.ds(base, CHUNK)])


def kernel(value, embed):
    idx = _tokenize(value, embed)
    return idx[:, None]

# --- scband reference (transcript-rebuilt; emitter-appended) ---
"""Pipeline reference for scband-scalar-tokenizer-47510928229087 (READ-ONLY COPY).

The authoritative reference and input builder live on the scoring server;
editing this copy changes nothing except your own understanding.
"""

import jax, jax.numpy as jnp
import numpy as np

N = 65536
K = 1024

def setup_inputs(seed: int = 0) -> dict:
    key = jax.random.key(seed)
    k1, k2 = jax.random.split(key)
    value = jax.random.normal(k1, (N,), dtype=jnp.float32)
    # learned buffer: 1-D scalar codebook (loaded via state_dict in torch; sorted like fit() output)
    embed = jnp.sort(jax.random.normal(k2, (K,), dtype=jnp.float32))
    return {"value": value, "embed": embed}

def reference(value, embed):
    # ScalarTokenizer.encode: l1 = |value[:, None] - embed|; argmin over codebook; unsqueeze(1)
    l1 = jnp.abs(value[:, None].astype(jnp.float32) - embed)
    idx = jnp.argmin(l1, axis=-1)
    return idx[:, None]

if __name__ == "__main__":
    import jax
    _d = setup_inputs()
    print(jax.jit(kernel)(*tuple(_d.values())))

</pallas_src>

<mosaic_0001>
#map = affine_map<(d0, d1) -> (0)>
module attributes {stable_mosaic.version = 14 : i64} {
  func.func @_tokenize(%arg0: i32, %arg1: i32, %arg2: memref<65536xf32, #tpu.memory_space<hbm>>, %arg3: memref<1024xf32, #tpu.memory_space<hbm>>, %arg4: memref<65536xi32, #tpu.memory_space<hbm>>, %arg5: memref<1024xf32, #tpu.memory_space<vmem>>, %arg6: memref<16384xf32, #tpu.memory_space<vmem>>, %arg7: memref<2048xf32, #tpu.memory_space<vmem>>, %arg8: memref<2048xi32, #tpu.memory_space<vmem>>, %arg9: memref<!tpu.dma_semaphore, #tpu.memory_space<semaphore_mem>>, %arg10: memref<!tpu.dma_semaphore, #tpu.memory_space<semaphore_mem>>) attributes {dimension_semantics = [#tpu.dimension_semantics<core_parallel>, #tpu.dimension_semantics<subcore_parallel>], iteration_bounds = array<i64: 2, 16>, scalar_prefetch = 0 : i64, scratch_operands = 6 : i64, tpu.core_type = #tpu.core_type<sc_vector_subcore>, window_params = [{transform_indices = #map}, {transform_indices = #map}, {transform_indices = #map}]} {
    %mul3A = arith.constant 2 : i32
    %mul3A_0 = arith.muli %arg1, %mul3A : i32
    %add3A = arith.addi %mul3A_0, %arg0 : i32
    %mul3A_1 = arith.constant 2048 : i32
    %mul3A_2 = arith.muli %add3A, %mul3A_1 : i32
    tpu.enqueue_dma source(%arg3 : memref<1024xf32, #tpu.memory_space<hbm>>) target(%arg5 : memref<1024xf32, #tpu.memory_space<vmem>>) target_semaphore(%arg9 : memref<!tpu.dma_semaphore, #tpu.memory_space<semaphore_mem>>)
    %dma_start3A = tpu.memref_slice %arg2[%mul3A_2] : memref<65536xf32, #tpu.memory_space<hbm>> -> memref<2048xf32, #tpu.memory_space<hbm>>
    %dma_start3A_3 = tpu.memref_slice %arg2[%mul3A_2] : memref<65536xf32, #tpu.memory_space<hbm>> -> memref<2048xf32, #tpu.memory_space<hbm>>
    tpu.enqueue_dma source(%dma_start3A_3 : memref<2048xf32, #tpu.memory_space<hbm>>) target(%arg7 : memref<2048xf32, #tpu.memory_space<vmem>>) target_semaphore(%arg10 : memref<!tpu.dma_semaphore, #tpu.memory_space<semaphore_mem>>)
    tpu.wait_dma2 semaphore(%arg9 : memref<!tpu.dma_semaphore, #tpu.memory_space<semaphore_mem>>) src(%arg3 : memref<1024xf32, #tpu.memory_space<hbm>>) dst(%arg5 : memref<1024xf32, #tpu.memory_space<vmem>>)
    %broadcast_in_dim3A = arith.constant 0.000000e+00 : f32
    %broadcast_in_dim3A_4 = vector.broadcast %broadcast_in_dim3A : f32 to vector<16xf32>
    %parallel_loop3A = arith.constant 0 : i32
    %parallel_loop3A_5 = arith.constant 64 : i32
    %parallel_loop3A_6 = arith.constant 1 : i32
    scf.for %parallel_loop3A_11 = %parallel_loop3A to %parallel_loop3A_5 step %parallel_loop3A_6  : i32 {
      %parallel_loop3A_12 = arith.constant 16 : i32
      %parallel_loop3A_13 = arith.muli %parallel_loop3A_11, %parallel_loop3A_12 : i32
      %parallel_loop3A_14 = arith.index_cast %parallel_loop3A_13 : i32 to index
      %parallel_loop3A_15 = tpu.vector_load %arg5[%parallel_loop3A_14] {strides = array<i32>} : memref<1024xf32, #tpu.memory_space<vmem>>, vector<16xf32>,
      %parallel_loop3A_16 = vector.extract_strided_slice %parallel_loop3A_15 {offsets = [0], sizes = [1], strides = [1]} : vector<16xf32> to vector<1xf32>
      %parallel_loop3A_17 = vector.extract %parallel_loop3A_16[0] : f32 from vector<1xf32>
      %parallel_loop3A_18 = vector.broadcast %parallel_loop3A_17 : f32 to vector<16xf32>
      %parallel_loop3A_19 = arith.addf %broadcast_in_dim3A_4, %parallel_loop3A_18 : vector<16xf32>
      %parallel_loop3A_20 = arith.constant 256 : i32
      %parallel_loop3A_21 = arith.muli %parallel_loop3A_11, %parallel_loop3A_20 : i32
      %parallel_loop3A_22 = arith.constant 0 : i32
      %parallel_loop3A_23 = arith.addi %parallel_loop3A_21, %parallel_loop3A_22 : i32
      %parallel_loop3A_24 = arith.index_cast %parallel_loop3A_23 : i32 to index
      %parallel_loop3A_25 = tpu.vector_load %arg6[%parallel_loop3A_24] {strides = array<i32>} : memref<16384xf32, #tpu.memory_space<vmem>>, vector<16xf32>,
      tpu.vector_store %arg6[%parallel_loop3A_24], %parallel_loop3A_19 {strides = array<i32>} : memref<16384xf32, #tpu.memory_space<vmem>>, vector<16xf32>,
      %parallel_loop3A_26 = vector.extract_strided_slice %parallel_loop3A_15 {offsets = [1], sizes = [1], strides = [1]} : vector<16xf32> to vector<1xf32>
      %parallel_loop3A_27 = vector.extract %parallel_loop3A_26[0] : f32 from vector<1xf32>
      %parallel_loop3A_28 = vector.broadcast %parallel_loop3A_27 : f32 to vector<16xf32>
      %parallel_loop3A_29 = arith.addf %broadcast_in_dim3A_4, %parallel_loop3A_28 : vector<16xf32>
      %parallel_loop3A_30 = arith.constant 256 : i32
      %parallel_loop3A_31 = arith.muli %parallel_loop3A_11, %parallel_loop3A_30 : i32
      %parallel_loop3A_32 = arith.constant 16 : i32
      %parallel_loop3A_33 = arith.addi %parallel_loop3A_31, %parallel_loop3A_32 : i32
      %parallel_loop3A_34 = arith.index_cast %parallel_loop3A_33 : i32 to index
      %parallel_loop3A_35 = tpu.vector_load %arg6[%parallel_loop3A_34] {strides = array<i32>} : memref<16384xf32, #tpu.memory_space<vmem>>, vector<16xf32>,
      tpu.vector_store %arg6[%parallel_loop3A_34], %parallel_loop3A_29 {strides = array<i32>} : memref<16384xf32, #tpu.memory_space<vmem>>, vector<16xf32>,
      %parallel_loop3A_36 = vector.extract_strided_slice %parallel_loop3A_15 {offsets = [2], sizes = [1], strides = [1]} : vector<16xf32> to vector<1xf32>
      %parallel_loop3A_37 = vector.extract %parallel_loop3A_36[0] : f32 from vector<1xf32>
      %parallel_loop3A_38 = vector.broadcast %parallel_loop3A_37 : f32 to vector<16xf32>
      %parallel_loop3A_39 = arith.addf %broadcast_in_dim3A_4, %parallel_loop3A_38 : vector<16xf32>
      %parallel_loop3A_40 = arith.constant 256 : i32
      %parallel_loop3A_41 = arith.muli %parallel_loop3A_11, %parallel_loop3A_40 : i32
      %parallel_loop3A_42 = arith.constant 32 : i32
      %parallel_loop3A_43 = arith.addi %parallel_loop3A_41, %parallel_loop3A_42 : i32
      %parallel_loop3A_44 = arith.index_cast %parallel_loop3A_43 : i32 to index
      %parallel_loop3A_45 = tpu.vector_load %arg6[%parallel_loop3A_44] {strides = array<i32>} : memref<16384xf32, #tpu.memory_space<vmem>>, vector<16xf32>,
      tpu.vector_store %arg6[%parallel_loop3A_44], %parallel_loop3A_39 {strides = array<i32>} : memref<16384xf32, #tpu.memory_space<vmem>>, vector<16xf32>,
      %parallel_loop3A_46 = vector.extract_strided_slice %parallel_loop3A_15 {offsets = [3], sizes = [1], strides = [1]} : vector<16xf32> to vector<1xf32>
      %parallel_loop3A_47 = vector.extract %parallel_loop3A_46[0] : f32 from vector<1xf32>
      %parallel_loop3A_48 = vector.broadcast %parallel_loop3A_47 : f32 to vector<16xf32>
      %parallel_loop3A_49 = arith.addf %broadcast_in_dim3A_4, %parallel_loop3A_48 : vector<16xf32>
      %parallel_loop3A_50 = arith.constant 256 : i32
      %parallel_loop3A_51 = arith.muli %parallel_loop3A_11, %parallel_loop3A_50 : i32
      %parallel_loop3A_52 = arith.constant 48 : i32
      %parallel_loop3A_53 = arith.addi %parallel_loop3A_51, %parallel_loop3A_52 : i32
      %parallel_loop3A_54 = arith.index_cast %parallel_loop3A_53 : i32 to index
      %parallel_loop3A_55 = tpu.vector_load %arg6[%parallel_loop3A_54] {strides = array<i32>} : memref<16384xf32, #tpu.memory_space<vmem>>, vector<16xf32>,
      tpu.vector_store %arg6[%parallel_loop3A_54], %parallel_loop3A_49 {strides = array<i32>} : memref<16384xf32, #tpu.memory_space<vmem>>, vector<16xf32>,
      %parallel_loop3A_56 = vector.extract_strided_slice %parallel_loop3A_15 {offsets = [4], sizes = [1], strides = [1]} : vector<16xf32> to vector<1xf32>
      %parallel_loop3A_57 = vector.extract %parallel_loop3A_56[0] : f32 from vector<1xf32>
      %parallel_loop3A_58 = vector.broadcast %parallel_loop3A_57 : f32 to vector<16xf32>
      %parallel_loop3A_59 = arith.addf %broadcast_in_dim3A_4, %parallel_loop3A_58 : vector<16xf32>
      %parallel_loop3A_60 = arith.constant 256 : i32
      %parallel_loop3A_61 = arith.muli %parallel_loop3A_11, %parallel_loop3A_60 : i32
      %parallel_loop3A_62 = arith.constant 64 : i32
      %parallel_loop3A_63 = arith.addi %parallel_loop3A_61, %parallel_loop3A_62 : i32
      %parallel_loop3A_64 = arith.index_cast %parallel_loop3A_63 : i32 to index
      %parallel_loop3A_65 = tpu.vector_load %arg6[%parallel_loop3A_64] {strides = array<i32>} : memref<16384xf32, #tpu.memory_space<vmem>>, vector<16xf32>,
      tpu.vector_store %arg6[%parallel_loop3A_64], %parallel_loop3A_59 {strides = array<i32>} : memref<16384xf32, #tpu.memory_space<vmem>>, vector<16xf32>,
      %parallel_loop3A_66 = vector.extract_strided_slice %parallel_loop3A_15 {offsets = [5], sizes = [1], strides = [1]} : vector<16xf32> to vector<1xf32>
      %parallel_loop3A_67 = vector.extract %parallel_loop3A_66[0] : f32 from vector<1xf32>
      %parallel_loop3A_68 = vector.broadcast %parallel_loop3A_67 : f32 to vector<16xf32>
      %parallel_loop3A_69 = arith.addf %broadcast_in_dim3A_4, %parallel_loop3A_68 : vector<16xf32>
      %parallel_loop3A_70 = arith.constant 256 : i32
      %parallel_loop3A_71 = arith.muli %parallel_loop3A_11, %parallel_loop3A_70 : i32
      %parallel_loop3A_72 = arith.constant 80 : i32
      %parallel_loop3A_73 = arith.addi %parallel_loop3A_71, %parallel_loop3A_72 : i32
      %parallel_loop3A_74 = arith.index_cast %parallel_loop3A_73 : i32 to index
      %parallel_loop3A_75 = tpu.vector_load %arg6[%parallel_loop3A_74] {strides = array<i32>} : memref<16384xf32, #tpu.memory_space<vmem>>, vector<16xf32>,
      tpu.vector_store %arg6[%parallel_loop3A_74], %parallel_loop3A_69 {strides = array<i32>} : memref<16384xf32, #tpu.memory_space<vmem>>, vector<16xf32>,
      %parallel_loop3A_76 = vector.extract_strided_slice %parallel_loop3A_15 {offsets = [6], sizes = [1], strides = [1]} : vector<16xf32> to vector<1xf32>
      %parallel_loop3A_77 = vector.extract %parallel_loop3A_76[0] : f32 from vector<1xf32>
      %parallel_loop3A_78 = vector.broadcast %parallel_loop3A_77 : f32 to vector<16xf32>
      %parallel_loop3A_79 = arith.addf %broadcast_in_dim3A_4, %parallel_loop3A_78 : vector<16xf32>
      %parallel_loop3A_80 = arith.constant 256 : i32
      %parallel_loop3A_81 = arith.muli %parallel_loop3A_11, %parallel_loop3A_80 : i32
      %parallel_loop3A_82 = arith.constant 96 : i32
      %parallel_loop3A_83 = arith.addi %parallel_loop3A_81, %parallel_loop3A_82 : i32
      %parallel_loop3A_84 = arith.index_cast %parallel_loop3A_83 : i32 to index
      %parallel_loop3A_85 = tpu.vector_load %arg6[%parallel_loop3A_84] {strides = array<i32>} : memref<16384xf32, #tpu.memory_space<vmem>>, vector<16xf32>,
      tpu.vector_store %arg6[%parallel_loop3A_84], %parallel_loop3A_79 {strides = array<i32>} : memref<16384xf32, #tpu.memory_space<vmem>>, vector<16xf32>,
      %parallel_loop3A_86 = vector.extract_strided_slice %parallel_loop3A_15 {offsets = [7], sizes = [1], strides = [1]} : vector<16xf32> to vector<1xf32>
      %parallel_loop3A_87 = vector.extract %parallel_loop3A_86[0] : f32 from vector<1xf32>
      %parallel_loop3A_88 = vector.broadcast %parallel_loop3A_87 : f32 to vector<16xf32>
      %parallel_loop3A_89 = arith.addf %broadcast_in_dim3A_4, %parallel_loop3A_88 : vector<16xf32>
      %parallel_loop3A_90 = arith.constant 256 : i32
      %parallel_loop3A_91 = arith.muli %parallel_loop3A_11, %parallel_loop3A_90 : i32
      %parallel_loop3A_92 = arith.constant 112 : i32
      %parallel_loop3A_93 = arith.addi %parallel_loop3A_91, %parallel_loop3A_92 : i32
      %parallel_loop3A_94 = arith.index_cast %parallel_loop3A_93 : i32 to index
      %parallel_loop3A_95 = tpu.vector_load %arg6[%parallel_loop3A_94] {strides = array<i32>} : memref<16384xf32, #tpu.memory_space<vmem>>, vector<16xf32>,
      tpu.vector_store %arg6[%parallel_loop3A_94], %parallel_loop3A_89 {strides = array<i32>} : memref<16384xf32, #tpu.memory_space<vmem>>, vector<16xf32>,
      %parallel_loop3A_96 = vector.extract_strided_slice %parallel_loop3A_15 {offsets = [8], sizes = [1], strides = [1]} : vector<16xf32> to vector<1xf32>
      %parallel_loop3A_97 = vector.extract %parallel_loop3A_96[0] : f32 from vector<1xf32>
      %parallel_loop3A_98 = vector.broadcast %parallel_loop3A_97 : f32 to vector<16xf32>
      %parallel_loop3A_99 = arith.addf %broadcast_in_dim3A_4, %parallel_loop3A_98 : vector<16xf32>
      %parallel_loop3A_100 = arith.constant 256 : i32
      %parallel_loop3A_101 = arith.muli %parallel_loop3A_11, %parallel_loop3A_100 : i32
      %parallel_loop3A_102 = arith.constant 128 : i32
      %parallel_loop3A_103 = arith.addi %parallel_loop3A_101, %parallel_loop3A_102 : i32
      %parallel_loop3A_104 = arith.index_cast %parallel_loop3A_103 : i32 to index
      %parallel_loop3A_105 = tpu.vector_load %arg6[%parallel_loop3A_104] {strides = array<i32>} : memref<16384xf32, #tpu.memory_space<vmem>>, vector<16xf32>,
      tpu.vector_store %arg6[%parallel_loop3A_104], %parallel_loop3A_99 {strides = array<i32>} : memref<16384xf32, #tpu.memory_space<vmem>>, vector<16xf32>,
      %parallel_loop3A_106 = vector.extract_strided_slice %parallel_loop3A_15 {offsets = [9], sizes = [1], strides = [1]} : vector<16xf32> to vector<1xf32>
      %parallel_loop3A_107 = vector.extract %parallel_loop3A_106[0] : f32 from vector<1xf32>
      %parallel_loop3A_108 = vector.broadcast %parallel_loop3A_107 : f32 to vector<16xf32>
      %parallel_loop3A_109 = arith.addf %broadcast_in_dim3A_4, %parallel_loop3A_108 : vector<16xf32>
      %parallel_loop3A_110 = arith.constant 256 : i32
      %parallel_loop3A_111 = arith.muli %parallel_loop3A_11, %parallel_loop3A_110 : i32
      %parallel_loop3A_112 = arith.constant 144 : i32
      %parallel_loop3A_113 = arith.addi %parallel_loop3A_111, %parallel_loop3A_112 : i32
      %parallel_loop3A_114 = arith.index_cast %parallel_loop3A_113 : i32 to index
      %parallel_loop3A_115 = tpu.vector_load %arg6[%parallel_loop3A_114] {strides = array<i32>} : memref<16384xf32, #tpu.memory_space<vmem>>, vector<16xf32>,
      tpu.vector_store %arg6[%parallel_loop3A_114], %parallel_loop3A_109 {strides = array<i32>} : memref<16384xf32, #tpu.memory_space<vmem>>, vector<16xf32>,
      %parallel_loop3A_116 = vector.extract_strided_slice %parallel_loop3A_15 {offsets = [10], sizes = [1], strides = [1]} : vector<16xf32> to vector<1xf32>
      %parallel_loop3A_117 = vector.extract %parallel_loop3A_116[0] : f32 from vector<1xf32>
      %parallel_loop3A_118 = vector.broadcast %parallel_loop3A_117 : f32 to vector<16xf32>
      %parallel_loop3A_119 = arith.addf %broadcast_in_dim3A_4, %parallel_loop3A_118 : vector<16xf32>
      %parallel_loop3A_120 = arith.constant 256 : i32
      %parallel_loop3A_121 = arith.muli %parallel_loop3A_11, %parallel_loop3A_120 : i32
      %parallel_loop3A_122 = arith.constant 160 : i32
      %parallel_loop3A_123 = arith.addi %parallel_loop3A_121, %parallel_loop3A_122 : i32
      %parallel_loop3A_124 = arith.index_cast %parallel_loop3A_123 : i32 to index
      %parallel_loop3A_125 = tpu.vector_load %arg6[%parallel_loop3A_124] {strides = array<i32>} : memref<16384xf32, #tpu.memory_space<vmem>>, vector<16xf32>,
      tpu.vector_store %arg6[%parallel_loop3A_124], %parallel_loop3A_119 {strides = array<i32>} : memref<16384xf32, #tpu.memory_space<vmem>>, vector<16xf32>,
      %parallel_loop3A_126 = vector.extract_strided_slice %parallel_loop3A_15 {offsets = [11], sizes = [1], strides = [1]} : vector<16xf32> to vector<1xf32>
      %parallel_loop3A_127 = vector.extract %parallel_loop3A_126[0] : f32 from vector<1xf32>
      %parallel_loop3A_128 = vector.broadcast %parallel_loop3A_127 : f32 to vector<16xf32>
      %parallel_loop3A_129 = arith.addf %broadcast_in_dim3A_4, %parallel_loop3A_128 : vector<16xf32>
      %parallel_loop3A_130 = arith.constant 256 : i32
      %parallel_loop3A_131 = arith.muli %parallel_loop3A_11, %parallel_loop3A_130 : i32
      %parallel_loop3A_132 = arith.constant 176 : i32
      %parallel_loop3A_133 = arith.addi %parallel_loop3A_131, %parallel_loop3A_132 : i32
      %parallel_loop3A_134 = arith.index_cast %parallel_loop3A_133 : i32 to index
      %parallel_loop3A_135 = tpu.vector_load %arg6[%parallel_loop3A_134] {strides = array<i32>} : memref<16384xf32, #tpu.memory_space<vmem>>, vector<16xf32>,
      tpu.vector_store %arg6[%parallel_loop3A_134], %parallel_loop3A_129 {strides = array<i32>} : memref<16384xf32, #tpu.memory_space<vmem>>, vector<16xf32>,
      %parallel_loop3A_136 = vector.extract_strided_slice %parallel_loop3A_15 {offsets = [12], sizes = [1], strides = [1]} : vector<16xf32> to vector<1xf32>
      %parallel_loop3A_137 = vector.extract %parallel_loop3A_136[0] : f32 from vector<1xf32>
      %parallel_loop3A_138 = vector.broadcast %parallel_loop3A_137 : f32 to vector<16xf32>
      %parallel_loop3A_139 = arith.addf %broadcast_in_dim3A_4, %parallel_loop3A_138 : vector<16xf32>
      %parallel_loop3A_140 = arith.constant 256 : i32
      %parallel_loop3A_141 = arith.muli %parallel_loop3A_11, %parallel_loop3A_140 : i32
      %parallel_loop3A_142 = arith.constant 192 : i32
      %parallel_loop3A_143 = arith.addi %parallel_loop3A_141, %parallel_loop3A_142 : i32
      %parallel_loop3A_144 = arith.index_cast %parallel_loop3A_143 : i32 to index
      %parallel_loop3A_145 = tpu.vector_load %arg6[%parallel_loop3A_144] {strides = array<i32>} : memref<16384xf32, #tpu.memory_space<vmem>>, vector<16xf32>,
      tpu.vector_store %arg6[%parallel_loop3A_144], %parallel_loop3A_139 {strides = array<i32>} : memref<16384xf32, #tpu.memory_space<vmem>>, vector<16xf32>,
      %parallel_loop3A_146 = vector.extract_strided_slice %parallel_loop3A_15 {offsets = [13], sizes = [1], strides = [1]} : vector<16xf32> to vector<1xf32>
      %parallel_loop3A_147 = vector.extract %parallel_loop3A_146[0] : f32 from vector<1xf32>
      %parallel_loop3A_148 = vector.broadcast %parallel_loop3A_147 : f32 to vector<16xf32>
      %parallel_loop3A_149 = arith.addf %broadcast_in_dim3A_4, %parallel_loop3A_148 : vector<16xf32>
      %parallel_loop3A_150 = arith.constant 256 : i32
      %parallel_loop3A_151 = arith.muli %parallel_loop3A_11, %parallel_loop3A_150 : i32
      %parallel_loop3A_152 = arith.constant 208 : i32
      %parallel_loop3A_153 = arith.addi %parallel_loop3A_151, %parallel_loop3A_152 : i32
      %parallel_loop3A_154 = arith.index_cast %parallel_loop3A_153 : i32 to index
      %parallel_loop3A_155 = tpu.vector_load %arg6[%parallel_loop3A_154] {strides = array<i32>} : memref<16384xf32, #tpu.memory_space<vmem>>, vector<16xf32>,
      tpu.vector_store %arg6[%parallel_loop3A_154], %parallel_loop3A_149 {strides = array<i32>} : memref<16384xf32, #tpu.memory_space<vmem>>, vector<16xf32>,
      %parallel_loop3A_156 = vector.extract_strided_slice %parallel_loop3A_15 {offsets = [14], sizes = [1], strides = [1]} : vector<16xf32> to vector<1xf32>
      %parallel_loop3A_157 = vector.extract %parallel_loop3A_156[0] : f32 from vector<1xf32>
      %parallel_loop3A_158 = vector.broadcast %parallel_loop3A_157 : f32 to vector<16xf32>
      %parallel_loop3A_159 = arith.addf %broadcast_in_dim3A_4, %parallel_loop3A_158 : vector<16xf32>
      %parallel_loop3A_160 = arith.constant 256 : i32
      %parallel_loop3A_161 = arith.muli %parallel_loop3A_11, %parallel_loop3A_160 : i32
      %parallel_loop3A_162 = arith.constant 224 : i32
      %parallel_loop3A_163 = arith.addi %parallel_loop3A_161, %parallel_loop3A_162 : i32
      %parallel_loop3A_164 = arith.index_cast %parallel_loop3A_163 : i32 to index
      %parallel_loop3A_165 = tpu.vector_load %arg6[%parallel_loop3A_164] {strides = array<i32>} : memref<16384xf32, #tpu.memory_space<vmem>>, vector<16xf32>,
      tpu.vector_store %arg6[%parallel_loop3A_164], %parallel_loop3A_159 {strides = array<i32>} : memref<16384xf32, #tpu.memory_space<vmem>>, vector<16xf32>,
      %parallel_loop3A_166 = vector.extract_strided_slice %parallel_loop3A_15 {offsets = [15], sizes = [1], strides = [1]} : vector<16xf32> to vector<1xf32>
      %parallel_loop3A_167 = vector.extract %parallel_loop3A_166[0] : f32 from vector<1xf32>
      %parallel_loop3A_168 = vector.broadcast %parallel_loop3A_167 : f32 to vector<16xf32>
      %parallel_loop3A_169 = arith.addf %broadcast_in_dim3A_4, %parallel_loop3A_168 : vector<16xf32>
      %parallel_loop3A_170 = arith.constant 256 : i32
      %parallel_loop3A_171 = arith.muli %parallel_loop3A_11, %parallel_loop3A_170 : i32
      %parallel_loop3A_172 = arith.constant 240 : i32
      %parallel_loop3A_173 = arith.addi %parallel_loop3A_171, %parallel_loop3A_172 : i32
      %parallel_loop3A_174 = arith.index_cast %parallel_loop3A_173 : i32 to index
      %parallel_loop3A_175 = tpu.vector_load %arg6[%parallel_loop3A_174] {strides = array<i32>} : memref<16384xf32, #tpu.memory_space<vmem>>, vector<16xf32>,
      tpu.vector_store %arg6[%parallel_loop3A_174], %parallel_loop3A_169 {strides = array<i32>} : memref<16384xf32, #tpu.memory_space<vmem>>, vector<16xf32>,
    } {sc.loop_unroll_factor = 2 : i64, sc.parallel_access}
    %dma_wait3A = tpu.memref_slice %arg2[%mul3A_2] : memref<65536xf32, #tpu.memory_space<hbm>> -> memref<2048xf32, #tpu.memory_space<hbm>>
    %dma_wait3A_7 = tpu.memref_slice %arg2[%mul3A_2] : memref<65536xf32, #tpu.memory_space<hbm>> -> memref<2048xf32, #tpu.memory_space<hbm>>
    tpu.wait_dma2 semaphore(%arg10 : memref<!tpu.dma_semaphore, #tpu.memory_space<semaphore_mem>>) src(%dma_wait3A_7 : memref<2048xf32, #tpu.memory_space<hbm>>) dst(%arg7 : memref<2048xf32, #tpu.memory_space<vmem>>)
    %iota3A = tpu.iota {dimensions = array<i32: 0>} : vector<16xi32>
    %parallel_loop3A_8 = arith.constant 0 : i32
    %parallel_loop3A_9 = arith.constant 128 : i32
    %parallel_loop3A_10 = arith.constant 1 : i32
    scf.for %parallel_loop3A_11 = %parallel_loop3A_8 to %parallel_loop3A_9 step %parallel_loop3A_10  : i32 {
      %parallel_loop3A_12 = arith.constant 16 : i32
      %parallel_loop3A_13 = arith.muli %parallel_loop3A_11, %parallel_loop3A_12 : i32
      %parallel_loop3A_14 = arith.index_cast %parallel_loop3A_13 : i32 to index
      %parallel_loop3A_15 = tpu.vector_load %arg7[%parallel_loop3A_14] {strides = array<i32>} : memref<2048xf32, #tpu.memory_space<vmem>>, vector<16xf32>,
      %parallel_loop3A_16 = arith.constant 8176 : i32
      %parallel_loop3A_17 = vector.broadcast %parallel_loop3A_16 : i32 to vector<16xi32>
      %parallel_loop3A_18 = arith.addi %iota3A, %parallel_loop3A_17 : vector<16xi32>
      %parallel_loop3A_19 = tpu.vector_load_idx %arg6[%parallel_loop3A_18] : memref<16384xf32, #tpu.memory_space<vmem>>[vector<16xi32>], vector<16xf32>,
      %parallel_loop3A_20 = arith.cmpf olt, %parallel_loop3A_19, %parallel_loop3A_15 : vector<16xf32>
      %parallel_loop3A_21 = arith.constant 8192 : i32
      %parallel_loop3A_22 = arith.constant 0 : i32
      %parallel_loop3A_23 = vector.broadcast %parallel_loop3A_21 : i32 to vector<16xi32>
      %parallel_loop3A_24 = vector.broadcast %parallel_loop3A_22 : i32 to vector<16xi32>
      %parallel_loop3A_25 = arith.select %parallel_loop3A_20, %parallel_loop3A_23, %parallel_loop3A_24 : vector<16xi1>, vector<16xi32>
      %parallel_loop3A_26 = arith.addi %iota3A, %parallel_loop3A_25 : vector<16xi32>
      %parallel_loop3A_27 = arith.constant 4080 : i32
      %parallel_loop3A_28 = vector.broadcast %parallel_loop3A_27 : i32 to vector<16xi32>
      %parallel_loop3A_29 = arith.addi %parallel_loop3A_26, %parallel_loop3A_28 : vector<16xi32>
      %parallel_loop3A_30 = tpu.vector_load_idx %arg6[%parallel_loop3A_29] : memref<16384xf32, #tpu.memory_space<vmem>>[vector<16xi32>], vector<16xf32>,
      %parallel_loop3A_31 = arith.cmpf olt, %parallel_loop3A_30, %parallel_loop3A_15 : vector<16xf32>
      %parallel_loop3A_32 = arith.constant 4096 : i32
      %parallel_loop3A_33 = arith.constant 0 : i32
      %parallel_loop3A_34 = vector.broadcast %parallel_loop3A_32 : i32 to vector<16xi32>
      %parallel_loop3A_35 = vector.broadcast %parallel_loop3A_33 : i32 to vector<16xi32>
      %parallel_loop3A_36 = arith.select %parallel_loop3A_31, %parallel_loop3A_34, %parallel_loop3A_35 : vector<16xi1>, vector<16xi32>
      %parallel_loop3A_37 = arith.addi %parallel_loop3A_26, %parallel_loop3A_36 : vector<16xi32>
      %parallel_loop3A_38 = arith.constant 2032 : i32
      %parallel_loop3A_39 = vector.broadcast %parallel_loop3A_38 : i32 to vector<16xi32>
      %parallel_loop3A_40 = arith.addi %parallel_loop3A_37, %parallel_loop3A_39 : vector<16xi32>
      %parallel_loop3A_41 = tpu.vector_load_idx %arg6[%parallel_loop3A_40] : memref<16384xf32, #tpu.memory_space<vmem>>[vector<16xi32>], vector<16xf32>,
      %parallel_loop3A_42 = arith.cmpf olt, %parallel_loop3A_41, %parallel_loop3A_15 : vector<16xf32>
      %parallel_loop3A_43 = arith.constant 2048 : i32
      %parallel_loop3A_44 = arith.constant 0 : i32
      %parallel_loop3A_45 = vector.broadcast %parallel_loop3A_43 : i32 to vector<16xi32>
      %parallel_loop3A_46 = vector.broadcast %parallel_loop3A_44 : i32 to vector<16xi32>
      %parallel_loop3A_47 = arith.select %parallel_loop3A_42, %parallel_loop3A_45, %parallel_loop3A_46 : vector<16xi1>, vector<16xi32>
      %parallel_loop3A_48 = arith.addi %parallel_loop3A_37, %parallel_loop3A_47 : vector<16xi32>
      %parallel_loop3A_49 = arith.constant 1008 : i32
      %parallel_loop3A_50 = vector.broadcast %parallel_loop3A_49 : i32 to vector<16xi32>
      %parallel_loop3A_51 = arith.addi %parallel_loop3A_48, %parallel_loop3A_50 : vector<16xi32>
      %parallel_loop3A_52 = tpu.vector_load_idx %arg6[%parallel_loop3A_51] : memref<16384xf32, #tpu.memory_space<vmem>>[vector<16xi32>], vector<16xf32>,
      %parallel_loop3A_53 = arith.cmpf olt, %parallel_loop3A_52, %parallel_loop3A_15 : vector<16xf32>
      %parallel_loop3A_54 = arith.constant 1024 : i32
      %parallel_loop3A_55 = arith.constant 0 : i32
      %parallel_loop3A_56 = vector.broadcast %parallel_loop3A_54 : i32 to vector<16xi32>
      %parallel_loop3A_57 = vector.broadcast %parallel_loop3A_55 : i32 to vector<16xi32>
      %parallel_loop3A_58 = arith.select %parallel_loop3A_53, %parallel_loop3A_56, %parallel_loop3A_57 : vector<16xi1>, vector<16xi32>
      %parallel_loop3A_59 = arith.addi %parallel_loop3A_48, %parallel_loop3A_58 : vector<16xi32>
      %parallel_loop3A_60 = arith.constant 496 : i32
      %parallel_loop3A_61 = vector.broadcast %parallel_loop3A_60 : i32 to vector<16xi32>
      %parallel_loop3A_62 = arith.addi %parallel_loop3A_59, %parallel_loop3A_61 : vector<16xi32>
      %parallel_loop3A_63 = tpu.vector_load_idx %arg6[%parallel_loop3A_62] : memref<16384xf32, #tpu.memory_space<vmem>>[vector<16xi32>], vector<16xf32>,
      %parallel_loop3A_64 = arith.cmpf olt, %parallel_loop3A_63, %parallel_loop3A_15 : vector<16xf32>
      %parallel_loop3A_65 = arith.constant 512 : i32
      %parallel_loop3A_66 = arith.constant 0 : i32
      %parallel_loop3A_67 = vector.broadcast %parallel_loop3A_65 : i32 to vector<16xi32>
      %parallel_loop3A_68 = vector.broadcast %parallel_loop3A_66 : i32 to vector<16xi32>
      %parallel_loop3A_69 = arith.select %parallel_loop3A_64, %parallel_loop3A_67, %parallel_loop3A_68 : vector<16xi1>, vector<16xi32>
      %parallel_loop3A_70 = arith.addi %parallel_loop3A_59, %parallel_loop3A_69 : vector<16xi32>
      %parallel_loop3A_71 = arith.constant 240 : i32
      %parallel_loop3A_72 = vector.broadcast %parallel_loop3A_71 : i32 to vector<16xi32>
      %parallel_loop3A_73 = arith.addi %parallel_loop3A_70, %parallel_loop3A_72 : vector<16xi32>
      %parallel_loop3A_74 = tpu.vector_load_idx %arg6[%parallel_loop3A_73] : memref<16384xf32, #tpu.memory_space<vmem>>[vector<16xi32>], vector<16xf32>,
      %parallel_loop3A_75 = arith.cmpf olt, %parallel_loop3A_74, %parallel_loop3A_15 : vector<16xf32>
      %parallel_loop3A_76 = arith.constant 256 : i32
      %parallel_loop3A_77 = arith.constant 0 : i32
      %parallel_loop3A_78 = vector.broadcast %parallel_loop3A_76 : i32 to vector<16xi32>
      %parallel_loop3A_79 = vector.broadcast %parallel_loop3A_77 : i32 to vector<16xi32>
      %parallel_loop3A_80 = arith.select %parallel_loop3A_75, %parallel_loop3A_78, %parallel_loop3A_79 : vector<16xi1>, vector<16xi32>
      %parallel_loop3A_81 = arith.addi %parallel_loop3A_70, %parallel_loop3A_80 : vector<16xi32>
      %parallel_loop3A_82 = arith.constant 112 : i32
      %parallel_loop3A_83 = vector.broadcast %parallel_loop3A_82 : i32 to vector<16xi32>
      %parallel_loop3A_84 = arith.addi %parallel_loop3A_81, %parallel_loop3A_83 : vector<16xi32>
      %parallel_loop3A_85 = tpu.vector_load_idx %arg6[%parallel_loop3A_84] : memref<16384xf32, #tpu.memory_space<vmem>>[vector<16xi32>], vector<16xf32>,
      %parallel_loop3A_86 = arith.cmpf olt, %parallel_loop3A_85, %parallel_loop3A_15 : vector<16xf32>
      %parallel_loop3A_87 = arith.constant 128 : i32
      %parallel_loop3A_88 = arith.constant 0 : i32
      %parallel_loop3A_89 = vector.broadcast %parallel_loop3A_87 : i32 to vector<16xi32>
      %parallel_loop3A_90 = vector.broadcast %parallel_loop3A_88 : i32 to vector<16xi32>
      %parallel_loop3A_91 = arith.select %parallel_loop3A_86, %parallel_loop3A_89, %parallel_loop3A_90 : vector<16xi1>, vector<16xi32>
      %parallel_loop3A_92 = arith.addi %parallel_loop3A_81, %parallel_loop3A_91 : vector<16xi32>
      %parallel_loop3A_93 = arith.constant 48 : i32
      %parallel_loop3A_94 = vector.broadcast %parallel_loop3A_93 : i32 to vector<16xi32>
      %parallel_loop3A_95 = arith.addi %parallel_loop3A_92, %parallel_loop3A_94 : vector<16xi32>
      %parallel_loop3A_96 = tpu.vector_load_idx %arg6[%parallel_loop3A_95] : memref<16384xf32, #tpu.memory_space<vmem>>[vector<16xi32>], vector<16xf32>,
      %parallel_loop3A_97 = arith.cmpf olt, %parallel_loop3A_96, %parallel_loop3A_15 : vector<16xf32>
      %parallel_loop3A_98 = arith.constant 64 : i32
      %parallel_loop3A_99 = arith.constant 0 : i32
      %parallel_loop3A_100 = vector.broadcast %parallel_loop3A_98 : i32 to vector<16xi32>
      %parallel_loop3A_101 = vector.broadcast %parallel_loop3A_99 : i32 to vector<16xi32>
      %parallel_loop3A_102 = arith.select %parallel_loop3A_97, %parallel_loop3A_100, %parallel_loop3A_101 : vector<16xi1>, vector<16xi32>
      %parallel_loop3A_103 = arith.addi %parallel_loop3A_92, %parallel_loop3A_102 : vector<16xi32>
      %parallel_loop3A_104 = arith.constant 16 : i32
      %parallel_loop3A_105 = vector.broadcast %parallel_loop3A_104 : i32 to vector<16xi32>
      %parallel_loop3A_106 = arith.addi %parallel_loop3A_103, %parallel_loop3A_105 : vector<16xi32>
      %parallel_loop3A_107 = tpu.vector_load_idx %arg6[%parallel_loop3A_106] : memref<16384xf32, #tpu.memory_space<vmem>>[vector<16xi32>], vector<16xf32>,
      %parallel_loop3A_108 = arith.cmpf olt, %parallel_loop3A_107, %parallel_loop3A_15 : vector<16xf32>
      %parallel_loop3A_109 = arith.constant 32 : i32
      %parallel_loop3A_110 = arith.constant 0 : i32
      %parallel_loop3A_111 = vector.broadcast %parallel_loop3A_109 : i32 to vector<16xi32>
      %parallel_loop3A_112 = vector.broadcast %parallel_loop3A_110 : i32 to vector<16xi32>
      %parallel_loop3A_113 = arith.select %parallel_loop3A_108, %parallel_loop3A_111, %parallel_loop3A_112 : vector<16xi1>, vector<16xi32>
      %parallel_loop3A_114 = arith.addi %parallel_loop3A_103, %parallel_loop3A_113 : vector<16xi32>
      %parallel_loop3A_115 = arith.constant 0 : i32
      %parallel_loop3A_116 = vector.broadcast %parallel_loop3A_115 : i32 to vector<16xi32>
      %parallel_loop3A_117 = arith.addi %parallel_loop3A_114, %parallel_loop3A_116 : vector<16xi32>
      %parallel_loop3A_118 = tpu.vector_load_idx %arg6[%parallel_loop3A_117] : memref<16384xf32, #tpu.memory_space<vmem>>[vector<16xi32>], vector<16xf32>,
      %parallel_loop3A_119 = arith.cmpf olt, %parallel_loop3A_118, %parallel_loop3A_15 : vector<16xf32>
      %parallel_loop3A_120 = arith.constant 16 : i32
      %parallel_loop3A_121 = arith.constant 0 : i32
      %parallel_loop3A_122 = vector.broadcast %parallel_loop3A_120 : i32 to vector<16xi32>
      %parallel_loop3A_123 = vector.broadcast %parallel_loop3A_121 : i32 to vector<16xi32>
      %parallel_loop3A_124 = arith.select %parallel_loop3A_119, %parallel_loop3A_122, %parallel_loop3A_123 : vector<16xi1>, vector<16xi32>
      %parallel_loop3A_125 = arith.addi %parallel_loop3A_114, %parallel_loop3A_124 : vector<16xi32>
      %parallel_loop3A_126 = tpu.vector_load_idx %arg6[%parallel_loop3A_125] : memref<16384xf32, #tpu.memory_space<vmem>>[vector<16xi32>], vector<16xf32>,
      %parallel_loop3A_127 = arith.cmpf olt, %parallel_loop3A_126, %parallel_loop3A_15 : vector<16xf32>
      %parallel_loop3A_128 = arith.constant 16 : i32
      %parallel_loop3A_129 = arith.constant 0 : i32
      %parallel_loop3A_130 = vector.broadcast %parallel_loop3A_128 : i32 to vector<16xi32>
      %parallel_loop3A_131 = vector.broadcast %parallel_loop3A_129 : i32 to vector<16xi32>
      %parallel_loop3A_132 = arith.select %parallel_loop3A_127, %parallel_loop3A_130, %parallel_loop3A_131 : vector<16xi1>, vector<16xi32>
      %parallel_loop3A_133 = arith.addi %parallel_loop3A_125, %parallel_loop3A_132 : vector<16xi32>
      %parallel_loop3A_134 = arith.constant 16 : i32
      %parallel_loop3A_135 = vector.broadcast %parallel_loop3A_134 : i32 to vector<16xi32>
      %parallel_loop3A_136 = arith.subi %parallel_loop3A_133, %parallel_loop3A_135 : vector<16xi32>
      %parallel_loop3A_137 = arith.maxsi %parallel_loop3A_136, %iota3A : vector<16xi32>
      %parallel_loop3A_138 = tpu.vector_load_idx %arg6[%parallel_loop3A_137] : memref<16384xf32, #tpu.memory_space<vmem>>[vector<16xi32>], vector<16xf32>,
      %parallel_loop3A_139 = arith.constant 16368 : i32
      %parallel_loop3A_140 = vector.broadcast %parallel_loop3A_139 : i32 to vector<16xi32>
      %parallel_loop3A_141 = arith.addi %parallel_loop3A_140, %iota3A : vector<16xi32>
      %parallel_loop3A_142 = arith.minsi %parallel_loop3A_133, %parallel_loop3A_141 : vector<16xi32>
      %parallel_loop3A_143 = tpu.vector_load_idx %arg6[%parallel_loop3A_142] : memref<16384xf32, #tpu.memory_space<vmem>>[vector<16xi32>], vector<16xf32>,
      %parallel_loop3A_144 = arith.subf %parallel_loop3A_15, %parallel_loop3A_138 : vector<16xf32>
      %parallel_loop3A_145 = arith.subf %parallel_loop3A_143, %parallel_loop3A_15 : vector<16xf32>
      %parallel_loop3A_146 = arith.cmpf ogt, %parallel_loop3A_144, %parallel_loop3A_145 : vector<16xf32>
      %parallel_loop3A_147 = arith.constant 16384 : i32
      %parallel_loop3A_148 = vector.broadcast %parallel_loop3A_147 : i32 to vector<16xi32>
      %parallel_loop3A_149 = arith.cmpi slt, %parallel_loop3A_133, %parallel_loop3A_148 : vector<16xi32>
      %parallel_loop3A_150 = arith.andi %parallel_loop3A_146, %parallel_loop3A_149 : vector<16xi1>
      %parallel_loop3A_151 = arith.subf %parallel_loop3A_143, %parallel_loop3A_15 : vector<16xf32>
      %parallel_loop3A_152 = arith.subf %parallel_loop3A_15, %parallel_loop3A_138 : vector<16xf32>
      %parallel_loop3A_153 = arith.select %parallel_loop3A_150, %parallel_loop3A_151, %parallel_loop3A_152 : vector<16xi1>, vector<16xf32>
      %parallel_loop3A_154 = arith.subf %parallel_loop3A_15, %parallel_loop3A_19 : vector<16xf32>
      %parallel_loop3A_155 = arith.cmpf ogt, %parallel_loop3A_154, %parallel_loop3A_153 : vector<16xf32>
      %parallel_loop3A_156 = arith.constant 8192 : i32
      %parallel_loop3A_157 = arith.constant 0 : i32
      %parallel_loop3A_158 = vector.broadcast %parallel_loop3A_156 : i32 to vector<16xi32>
      %parallel_loop3A_159 = vector.broadcast %parallel_loop3A_157 : i32 to vector<16xi32>
      %parallel_loop3A_160 = arith.select %parallel_loop3A_155, %parallel_loop3A_158, %parallel_loop3A_159 : vector<16xi1>, vector<16xi32>
      %parallel_loop3A_161 = arith.addi %iota3A, %parallel_loop3A_160 : vector<16xi32>
      %parallel_loop3A_162 = arith.constant 4080 : i32
      %parallel_loop3A_163 = vector.broadcast %parallel_loop3A_162 : i32 to vector<16xi32>
      %parallel_loop3A_164 = arith.addi %parallel_loop3A_161, %parallel_loop3A_163 : vector<16xi32>
      %parallel_loop3A_165 = tpu.vector_load_idx %arg6[%parallel_loop3A_164] : memref<16384xf32, #tpu.memory_space<vmem>>[vector<16xi32>], vector<16xf32>,
      %parallel_loop3A_166 = arith.subf %parallel_loop3A_15, %parallel_loop3A_165 : vector<16xf32>
      %parallel_loop3A_167 = arith.cmpf ogt, %parallel_loop3A_166, %parallel_loop3A_153 : vector<16xf32>
      %parallel_loop3A_168 = arith.constant 4096 : i32
      %parallel_loop3A_169 = arith.constant 0 : i32
      %parallel_loop3A_170 = vector.broadcast %parallel_loop3A_168 : i32 to vector<16xi32>
      %parallel_loop3A_171 = vector.broadcast %parallel_loop3A_169 : i32 to vector<16xi32>
      %parallel_loop3A_172 = arith.select %parallel_loop3A_167, %parallel_loop3A_170, %parallel_loop3A_171 : vector<16xi1>, vector<16xi32>
      %parallel_loop3A_173 = arith.addi %parallel_loop3A_161, %parallel_loop3A_172 : vector<16xi32>
      %parallel_loop3A_174 = arith.constant 2032 : i32
      %parallel_loop3A_175 = vector.broadcast %parallel_loop3A_174 : i32 to vector<16xi32>
      %parallel_loop3A_176 = arith.addi %parallel_loop3A_173, %parallel_loop3A_175 : vector<16xi32>
      %parallel_loop3A_177 = tpu.vector_load_idx %arg6[%parallel_loop3A_176] : memref<16384xf32, #tpu.memory_space<vmem>>[vector<16xi32>], vector<16xf32>,
      %parallel_loop3A_178 = arith.subf %parallel_loop3A_15, %parallel_loop3A_177 : vector<16xf32>
      %parallel_loop3A_179 = arith.cmpf ogt, %parallel_loop3A_178, %parallel_loop3A_153 : vector<16xf32>
      %parallel_loop3A_180 = arith.constant 2048 : i32
      %parallel_loop3A_181 = arith.constant 0 : i32
      %parallel_loop3A_182 = vector.broadcast %parallel_loop3A_180 : i32 to vector<16xi32>
      %parallel_loop3A_183 = vector.broadcast %parallel_loop3A_181 : i32 to vector<16xi32>
      %parallel_loop3A_184 = arith.select %parallel_loop3A_179, %parallel_loop3A_182, %parallel_loop3A_183 : vector<16xi1>, vector<16xi32>
      %parallel_loop3A_185 = arith.addi %parallel_loop3A_173, %parallel_loop3A_184 : vector<16xi32>
      %parallel_loop3A_186 = arith.constant 1008 : i32
      %parallel_loop3A_187 = vector.broadcast %parallel_loop3A_186 : i32 to vector<16xi32>
      %parallel_loop3A_188 = arith.addi %parallel_loop3A_185, %parallel_loop3A_187 : vector<16xi32>
      %parallel_loop3A_189 = tpu.vector_load_idx %arg6[%parallel_loop3A_188] : memref<16384xf32, #tpu.memory_space<vmem>>[vector<16xi32>], vector<16xf32>,
      %parallel_loop3A_190 = arith.subf %parallel_loop3A_15, %parallel_loop3A_189 : vector<16xf32>
      %parallel_loop3A_191 = arith.cmpf ogt, %parallel_loop3A_190, %parallel_loop3A_153 : vector<16xf32>
      %parallel_loop3A_192 = arith.constant 1024 : i32
      %parallel_loop3A_193 = arith.constant 0 : i32
      %parallel_loop3A_194 = vector.broadcast %parallel_loop3A_192 : i32 to vector<16xi32>
      %parallel_loop3A_195 = vector.broadcast %parallel_loop3A_193 : i32 to vector<16xi32>
      %parallel_loop3A_196 = arith.select %parallel_loop3A_191, %parallel_loop3A_194, %parallel_loop3A_195 : vector<16xi1>, vector<16xi32>
      %parallel_loop3A_197 = arith.addi %parallel_loop3A_185, %parallel_loop3A_196 : vector<16xi32>
      %parallel_loop3A_198 = arith.constant 496 : i32
      %parallel_loop3A_199 = vector.broadcast %parallel_loop3A_198 : i32 to vector<16xi32>
      %parallel_loop3A_200 = arith.addi %parallel_loop3A_197, %parallel_loop3A_199 : vector<16xi32>
      %parallel_loop3A_201 = tpu.vector_load_idx %arg6[%parallel_loop3A_200] : memref<16384xf32, #tpu.memory_space<vmem>>[vector<16xi32>], vector<16xf32>,
      %parallel_loop3A_202 = arith.subf %parallel_loop3A_15, %parallel_loop3A_201 : vector<16xf32>
      %parallel_loop3A_203 = arith.cmpf ogt, %parallel_loop3A_202, %parallel_loop3A_153 : vector<16xf32>
      %parallel_loop3A_204 = arith.constant 512 : i32
      %parallel_loop3A_205 = arith.constant 0 : i32
      %parallel_loop3A_206 = vector.broadcast %parallel_loop3A_204 : i32 to vector<16xi32>
      %parallel_loop3A_207 = vector.broadcast %parallel_loop3A_205 : i32 to vector<16xi32>
      %parallel_loop3A_208 = arith.select %parallel_loop3A_203, %parallel_loop3A_206, %parallel_loop3A_207 : vector<16xi1>, vector<16xi32>
      %parallel_loop3A_209 = arith.addi %parallel_loop3A_197, %parallel_loop3A_208 : vector<16xi32>
      %parallel_loop3A_210 = arith.constant 240 : i32
      %parallel_loop3A_211 = vector.broadcast %parallel_loop3A_210 : i32 to vector<16xi32>
      %parallel_loop3A_212 = arith.addi %parallel_loop3A_209, %parallel_loop3A_211 : vector<16xi32>
      %parallel_loop3A_213 = tpu.vector_load_idx %arg6[%parallel_loop3A_212] : memref<16384xf32, #tpu.memory_space<vmem>>[vector<16xi32>], vector<16xf32>,
      %parallel_loop3A_214 = arith.subf %parallel_loop3A_15, %parallel_loop3A_213 : vector<16xf32>
      %parallel_loop3A_215 = arith.cmpf ogt, %parallel_loop3A_214, %parallel_loop3A_153 : vector<16xf32>
      %parallel_loop3A_216 = arith.constant 256 : i32
      %parallel_loop3A_217 = arith.constant 0 : i32
      %parallel_loop3A_218 = vector.broadcast %parallel_loop3A_216 : i32 to vector<16xi32>
      %parallel_loop3A_219 = vector.broadcast %parallel_loop3A_217 : i32 to vector<16xi32>
      %parallel_loop3A_220 = arith.select %parallel_loop3A_215, %parallel_loop3A_218, %parallel_loop3A_219 : vector<16xi1>, vector<16xi32>
      %parallel_loop3A_221 = arith.addi %parallel_loop3A_209, %parallel_loop3A_220 : vector<16xi32>
      %parallel_loop3A_222 = arith.constant 112 : i32
      %parallel_loop3A_223 = vector.broadcast %parallel_loop3A_222 : i32 to vector<16xi32>
      %parallel_loop3A_224 = arith.addi %parallel_loop3A_221, %parallel_loop3A_223 : vector<16xi32>
      %parallel_loop3A_225 = tpu.vector_load_idx %arg6[%parallel_loop3A_224] : memref<16384xf32, #tpu.memory_space<vmem>>[vector<16xi32>], vector<16xf32>,
      %parallel_loop3A_226 = arith.subf %parallel_loop3A_15, %parallel_loop3A_225 : vector<16xf32>
      %parallel_loop3A_227 = arith.cmpf ogt, %parallel_loop3A_226, %parallel_loop3A_153 : vector<16xf32>
      %parallel_loop3A_228 = arith.constant 128 : i32
      %parallel_loop3A_229 = arith.constant 0 : i32
      %parallel_loop3A_230 = vector.broadcast %parallel_loop3A_228 : i32 to vector<16xi32>
      %parallel_loop3A_231 = vector.broadcast %parallel_loop3A_229 : i32 to vector<16xi32>
      %parallel_loop3A_232 = arith.select %parallel_loop3A_227, %parallel_loop3A_230, %parallel_loop3A_231 : vector<16xi1>, vector<16xi32>
      %parallel_loop3A_233 = arith.addi %parallel_loop3A_221, %parallel_loop3A_232 : vector<16xi32>
      %parallel_loop3A_234 = arith.constant 48 : i32
      %parallel_loop3A_235 = vector.broadcast %parallel_loop3A_234 : i32 to vector<16xi32>
      %parallel_loop3A_236 = arith.addi %parallel_loop3A_233, %parallel_loop3A_235 : vector<16xi32>
      %parallel_loop3A_237 = tpu.vector_load_idx %arg6[%parallel_loop3A_236] : memref<16384xf32, #tpu.memory_space<vmem>>[vector<16xi32>], vector<16xf32>,
      %parallel_loop3A_238 = arith.subf %parallel_loop3A_15, %parallel_loop3A_237 : vector<16xf32>
      %parallel_loop3A_239 = arith.cmpf ogt, %parallel_loop3A_238, %parallel_loop3A_153 : vector<16xf32>
      %parallel_loop3A_240 = arith.constant 64 : i32
      %parallel_loop3A_241 = arith.constant 0 : i32
      %parallel_loop3A_242 = vector.broadcast %parallel_loop3A_240 : i32 to vector<16xi32>
      %parallel_loop3A_243 = vector.broadcast %parallel_loop3A_241 : i32 to vector<16xi32>
      %parallel_loop3A_244 = arith.select %parallel_loop3A_239, %parallel_loop3A_242, %parallel_loop3A_243 : vector<16xi1>, vector<16xi32>
      %parallel_loop3A_245 = arith.addi %parallel_loop3A_233, %parallel_loop3A_244 : vector<16xi32>
      %parallel_loop3A_246 = arith.constant 16 : i32
      %parallel_loop3A_247 = vector.broadcast %parallel_loop3A_246 : i32 to vector<16xi32>
      %parallel_loop3A_248 = arith.addi %parallel_loop3A_245, %parallel_loop3A_247 : vector<16xi32>
      %parallel_loop3A_249 = tpu.vector_load_idx %arg6[%parallel_loop3A_248] : memref<16384xf32, #tpu.memory_space<vmem>>[vector<16xi32>], vector<16xf32>,
      %parallel_loop3A_250 = arith.subf %parallel_loop3A_15, %parallel_loop3A_249 : vector<16xf32>
      %parallel_loop3A_251 = arith.cmpf ogt, %parallel_loop3A_250, %parallel_loop3A_153 : vector<16xf32>
      %parallel_loop3A_252 = arith.constant 32 : i32
      %parallel_loop3A_253 = arith.constant 0 : i32
      %parallel_loop3A_254 = vector.broadcast %parallel_loop3A_252 : i32 to vector<16xi32>
      %parallel_loop3A_255 = vector.broadcast %parallel_loop3A_253 : i32 to vector<16xi32>
      %parallel_loop3A_256 = arith.select %parallel_loop3A_251, %parallel_loop3A_254, %parallel_loop3A_255 : vector<16xi1>, vector<16xi32>
      %parallel_loop3A_257 = arith.addi %parallel_loop3A_245, %parallel_loop3A_256 : vector<16xi32>
      %parallel_loop3A_258 = arith.constant 0 : i32
      %parallel_loop3A_259 = vector.broadcast %parallel_loop3A_258 : i32 to vector<16xi32>
      %parallel_loop3A_260 = arith.addi %parallel_loop3A_257, %parallel_loop3A_259 : vector<16xi32>
      %parallel_loop3A_261 = tpu.vector_load_idx %arg6[%parallel_loop3A_260] : memref<16384xf32, #tpu.memory_space<vmem>>[vector<16xi32>], vector<16xf32>,
      %parallel_loop3A_262 = arith.subf %parallel_loop3A_15, %parallel_loop3A_261 : vector<16xf32>
      %parallel_loop3A_263 = arith.cmpf ogt, %parallel_loop3A_262, %parallel_loop3A_153 : vector<16xf32>
      %parallel_loop3A_264 = arith.constant 16 : i32
      %parallel_loop3A_265 = arith.constant 0 : i32
      %parallel_loop3A_266 = vector.broadcast %parallel_loop3A_264 : i32 to vector<16xi32>
      %parallel_loop3A_267 = vector.broadcast %parallel_loop3A_265 : i32 to vector<16xi32>
      %parallel_loop3A_268 = arith.select %parallel_loop3A_263, %parallel_loop3A_266, %parallel_loop3A_267 : vector<16xi1>, vector<16xi32>
      %parallel_loop3A_269 = arith.addi %parallel_loop3A_257, %parallel_loop3A_268 : vector<16xi32>
      %parallel_loop3A_270 = tpu.vector_load_idx %arg6[%parallel_loop3A_269] : memref<16384xf32, #tpu.memory_space<vmem>>[vector<16xi32>], vector<16xf32>,
      %parallel_loop3A_271 = arith.subf %parallel_loop3A_15, %parallel_loop3A_270 : vector<16xf32>
      %parallel_loop3A_272 = arith.cmpf ogt, %parallel_loop3A_271, %parallel_loop3A_153 : vector<16xf32>
      %parallel_loop3A_273 = arith.constant 16 : i32
      %parallel_loop3A_274 = arith.constant 0 : i32
      %parallel_loop3A_275 = vector.broadcast %parallel_loop3A_273 : i32 to vector<16xi32>
      %parallel_loop3A_276 = vector.broadcast %parallel_loop3A_274 : i32 to vector<16xi32>
      %parallel_loop3A_277 = arith.select %parallel_loop3A_272, %parallel_loop3A_275, %parallel_loop3A_276 : vector<16xi1>, vector<16xi32>
      %parallel_loop3A_278 = arith.addi %parallel_loop3A_269, %parallel_loop3A_277 : vector<16xi32>
      %parallel_loop3A_279 = arith.constant 4 : i32
      %parallel_loop3A_280 = vector.broadcast %parallel_loop3A_279 : i32 to vector<16xi32>
      %parallel_loop3A_281 = arith.shrui %parallel_loop3A_278, %parallel_loop3A_280 : vector<16xi32>
      %parallel_loop3A_282 = arith.constant 16 : i32
      %parallel_loop3A_283 = arith.muli %parallel_loop3A_11, %parallel_loop3A_282 : i32
      %parallel_loop3A_284 = arith.index_cast %parallel_loop3A_283 : i32 to index
      %parallel_loop3A_285 = tpu.vector_load %arg8[%parallel_loop3A_284] {strides = array<i32>} : memref<2048xi32, #tpu.memory_space<vmem>>, vector<16xi32>,
      tpu.vector_store %arg8[%parallel_loop3A_284], %parallel_loop3A_281 {strides = array<i32>} : memref<2048xi32, #tpu.memory_space<vmem>>, vector<16xi32>,
    } {sc.loop_unroll_factor = 4 : i64, sc.parallel_access}
    "tpu.region"() ({
      %run_scoped3A = tpu.sem_alloc : memref<!tpu.dma_semaphore, #tpu.memory_space<semaphore_mem>>
      %dma_start3A_11 = tpu.memref_slice %arg4[%mul3A_2] : memref<65536xi32, #tpu.memory_space<hbm>> -> memref<2048xi32, #tpu.memory_space<hbm>>
      %dma_start3A_12 = tpu.memref_slice %arg4[%mul3A_2] : memref<65536xi32, #tpu.memory_space<hbm>> -> memref<2048xi32, #tpu.memory_space<hbm>>
      tpu.enqueue_dma source(%arg8 : memref<2048xi32, #tpu.memory_space<vmem>>) target(%dma_start3A_12 : memref<2048xi32, #tpu.memory_space<hbm>>) target_semaphore(%run_scoped3A : memref<!tpu.dma_semaphore, #tpu.memory_space<semaphore_mem>>)
      %dma_wait3A_13 = tpu.memref_slice %arg4[%mul3A_2] : memref<65536xi32, #tpu.memory_space<hbm>> -> memref<2048xi32, #tpu.memory_space<hbm>>
      %dma_wait3A_14 = tpu.memref_slice %arg4[%mul3A_2] : memref<65536xi32, #tpu.memory_space<hbm>> -> memref<2048xi32, #tpu.memory_space<hbm>>
      tpu.wait_dma2 semaphore(%run_scoped3A : memref<!tpu.dma_semaphore, #tpu.memory_space<semaphore_mem>>) src(%arg8 : memref<2048xi32, #tpu.memory_space<vmem>>) dst(%dma_wait3A_14 : memref<2048xi32, #tpu.memory_space<hbm>>)
      tpu.yield
    }) : () -> ()
    return
  }
}

</mosaic_0001>

<sc_bundles>
// kernel: kernel.3.cloned.1.call-start
scs
__scs_entry_jumppad:
0x0: {  	(pc) =	sbr.rel $0x88, $3  }
0x1: {  	(tag) =	ssettag $0x0;
	lr =	simm.s32 $0x1  }
0x2: {  	[smem:$0x3F9F] =	sst lr;
	_ =	strace $0xD0000000  }
0x3: {  	_ = 	snop  }
0x4: {  	_ = 	snop  }
0x5: {  	_ = 	snop  }
0x6: {  	_ = 	snop  }
0x7: {  	_ = 	snop  }
__scs_overlays_trampoline_lowered:
0x8: {  	[smem:$0x3FAE] =	sst s0  }
0x9: {  	[smem:$0x3FAF] =	sst s1  }
0xa: {  	[smem:$0x3FB0] =	sst s2  }
0xb: {  	[smem:$0x3FB1] =	sst s3  }
0xc: {  	[smem:$0x3FB2] =	sst s4  }
0xd: {  	[smem:$0x3FB3] =	sst s5  }
0xe: {  	[smem:$0x3FB4] =	sst s6  }
0xf: {  	[smem:$0x3FB5] =	sst s7  }
0x10: {  	[smem:$0x3FB6] =	sst s8  }
0x11: {  	[smem:$0x3FB7] =	sst s9;
	s0 =	simm.s32 @!p0 $0x0  }
0x12: {  	s1 =	sld [smem:$0x3F9D];
	s0 =	simm.s32 @p0 $0x1  }
0x13: {  	[smem:$0x3FB8] =	sst s0;
	s0 =	simm.s32 @!p1 $0x0  }
0x14: {  	s2 =	sld [smem:$0x3F9C];
	s0 =	simm.s32 @p1 $0x1  }
0x15: {  	[smem:$0x3FB9] =	sst s0;
	s0 =	simm.s32 @!p2 $0x0  }
0x16: {  	s3 =	sld [smem:$0x3FDB];
	s0 =	simm.s32 @p2 $0x1  }
0x17: {  	s4 =	simm.s32 $0x1BF5;
	[smem:$0x3FBB] =	sst s0  }
0x18: {  	s0 =	sld [smem:$0x3F9E];
	_ =	swait.ge [sflag:s4], $0x0  }
0x19: {  	s7 =	sld [smem:$0x3F9F]  }
0x1a: {  	s8 =	sadd.s32 $0xFFFFE003, lr  }
0x1b: {  	s9 =	sadd.s32 $0xFFFFFEF7, lr;
	s5 =	simm.s32 $0xFFFFFFFF;
	p2 =	slt.u32 s8, $0xFFFFF086  }
0x1c: {  	p1 =	slt.u32 s9, $0xF7A;
	s5 =	simm.s32 @!p2 $0x0  }
0x1d: {  	s5 =	simm.s32 @p1 $0x1;
	p0 =	seq.s32 s7, s2  }
0x1e: {  	s7 =	smul.u32 @!p0 $0xF7A, s2;
	p2 =	seq.s32 @!p0 s5, $0x0  }
0x1f: {  	s9 =	smul.u32 $0xF7A, s1;
	s8 =	simm.s32 @!p0 $0x1BF5;
	p2 =	por !p2, p0  }
0x20: {  	[sflag:s8] =	ssyncset.s32 @!p0 $0xFFFFF086;
	s6 =	sadd.s32 @!p0 s3, s7;
	s7 =	simm.s32 @!p0 $0x108  }
0x21: {  	s3 =	sadd.s32 s3, s9;
	s6 =	sadd.s32 @!p0 $0x88, s6;
	s7 =	simm.s32 @p2 $0x1082  }
0x22: {  	[simem:s7], [sflag:s8] =	dma.local @!p0 [hbm:s6], $0xF7A  }
0x23: {  	s9 =	sor.u32 $0xD0000000, s2;
	s6 =	simm.s32 $0x108;
	_ =	swait.ge @!p0 [sflag:s8], $0x0  }
0x24: {  	s3 =	sadd.s32 $0x88, s3;
	s6 =	simm.s32 @!p1 $0x1082;
	[sflag:s4] =	ssyncset.s32 $0xFFFFF086  }
0x25: {  	[simem:s6], [sflag:s4] =	dma.local [hbm:s3], $0xF7A  }
0x26: {  	[smem:$0x3F9F] =	sst s1;
	(tag) =	ssettag s2;
	_ =	strace s9  }
0x27: {  	s1 =	sld [smem:$0x3FAF]  }
0x28: {  	s2 =	sld [smem:$0x3FB0]  }
0x29: {  	s4 =	sld [smem:$0x3FB2]  }
0x2a: {  	p0 =	seq.s32 s5, $0x0;
	s5 =	sld [smem:$0x3FB3]  }
0x2b: {  	s6 =	sld [smem:$0x3FB4]  }
0x2c: {  	s7 =	sld [smem:$0x3FB5]  }
0x2d: {  	s3 =	simm.s32 $0x108;
	s8 =	sld [smem:$0x3FB6]  }
0x2e: {  	s3 =	simm.s32 @!p0 $0x1082;
	s9 =	sld [smem:$0x3FB7]  }
0x2f: {  	lr =	sadd.s32 s0, s3;
	s0 =	sld [smem:$0x3FAE]  }
0x30: {  	s3 =	sld [smem:$0x3FB1]  }
0x31: {  	[smem:$0x3FBA] =	sst s10  }
0x32: {  	s10 =	sld [smem:$0x3FB8];
	_ =	sdelay $0x3  }
0x33: {  	p0 =	seq.s32 s10, $0x1;
	s10 =	sld [smem:$0x3FBA];
	_ =	sdelay $0x3  }
0x34: {  	[smem:$0x3FBA] =	sst s10  }
0x35: {  	s10 =	sld [smem:$0x3FB9];
	_ =	sdelay $0x3  }
0x36: {  	p1 =	seq.s32 s10, $0x1;
	s10 =	sld [smem:$0x3FBA];
	_ =	sdelay $0x3  }
0x37: {  	[smem:$0x3FBA] =	sst s10  }
0x38: {  	s10 =	sld [smem:$0x3FBB]  }
0x39: {  	_ = 	snop;
	(pc) =	sbr.ind lr, $3  }
0x3a: {  	_ = 	snop  }
0x3b: {  	_ = 	snop  }
0x3c: {  	p2 =	seq.s32 s10, $0x1;
	s10 =	sld [smem:$0x3FBA]  }
0x3d: {  	_ =	shalt  }
0x3e: {  	_ =	shalt  }
0x3f: {  	_ =	shalt  }
0x40: {  	_ =	shalt  }
0x41: {  	_ =	shalt  }
0x42: {  	_ =	shalt  }
0x43: {  	_ =	shalt  }
0x44: {  	_ =	shalt  }
0x45: {  	_ =	shalt  }
0x46: {  	_ =	shalt  }
0x47: {  	_ =	shalt  }
0x48: {  	_ =	shalt  }
0x49: {  	_ =	shalt  }
0x4a: {  	_ =	shalt  }
0x4b: {  	_ =	shalt  }
0x4c: {  	_ =	shalt  }
0x4d: {  	_ =	shalt  }
0x4e: {  	_ =	shalt  }
0x4f: {  	_ =	shalt  }
0x50: {  	_ =	shalt  }
0x51: {  	_ =	shalt  }
0x52: {  	_ =	shalt  }
0x53: {  	_ =	shalt  }
0x54: {  	_ =	shalt  }
0x55: {  	_ =	shalt  }
0x56: {  	_ =	shalt  }
0x57: {  	_ =	shalt  }
0x58: {  	_ =	shalt  }
0x59: {  	_ =	shalt  }
0x5a: {  	_ =	shalt  }
0x5b: {  	_ =	shalt  }
0x5c: {  	_ =	shalt  }
0x5d: {  	_ =	shalt  }
0x5e: {  	_ =	shalt  }
0x5f: {  	_ =	shalt  }
0x60: {  	_ =	shalt  }
0x61: {  	_ =	shalt  }
0x62: {  	_ =	shalt  }
0x63: {  	_ =	shalt  }
0x64: {  	_ =	shalt  }
0x65: {  	_ =	shalt  }
0x66: {  	_ =	shalt  }
0x67: {  	_ =	shalt  }
0x68: {  	_ =	shalt  }
0x69: {  	_ =	shalt  }
0x6a: {  	_ =	shalt  }
0x6b: {  	_ =	shalt  }
0x6c: {  	_ =	shalt  }
0x6d: {  	_ =	shalt  }
0x6e: {  	_ =	shalt  }
0x6f: {  	_ =	shalt  }
0x70: {  	_ =	shalt  }
0x71: {  	_ =	shalt  }
0x72: {  	_ =	shalt  }
0x73: {  	_ =	shalt  }
0x74: {  	_ =	shalt  }
0x75: {  	_ =	shalt  }
0x76: {  	_ =	shalt  }
0x77: {  	_ =	shalt  }
0x78: {  	_ =	shalt  }
0x79: {  	_ =	shalt  }
0x7a: {  	_ =	shalt  }
0x7b: {  	_ =	shalt  }
0x7c: {  	_ =	shalt  }
0x7d: {  	_ =	shalt  }
0x7e: {  	_ =	shalt  }
0x7f: {  	_ =	shalt  }
0x80: {  	_ =	shalt  }
0x81: {  	_ =	shalt  }
0x82: {  	_ =	shalt  }
0x83: {  	_ =	shalt  }
0x84: {  	_ =	shalt  }
0x85: {  	_ =	shalt  }
0x86: {  	_ =	shalt  }
0x87: {  	_ =	shalt  }
.Lfunc_end0:
.L_simem_size_0:
called_computation_lowered:
.L_overlay_start_0:
0x88: {  	s2 =	sld [smem:$0x3FD9]  }
0x89: {  	s3 =	sld [smem:$0x3FFE];
	_ =	sdelay $0x1  }
0x8a: {  	s1 =	srdreg.scid  }
0x8b: {  	s0 =	sand.u32 $0x1, s1  }
0x8c: {  	s18 =	sshll.u32 s0, $0xA;
	s2 =	sadd.s32 s3, s2  }
0x8d: {  	s2 =	sadd.s32 s2, s18  }
0x8e: {  	[smem:$0x3FC6] =	sst s2  }
0x8f: {  	_ = 	snop  }
0x90: {  	s2 =	sld [smem:$0x3FC9]  }
0x91: {  	s19 =	sld [smem:$0x3FC8]  }
0x92: {  	s4 =	sld [smem:$0x3FD0];
	(tm) =	ssettm $0x1  }
0x93: {  	s5 =	sld [smem:$0x3FFB];
	_ =	sdelay $0x3  }
0x94: {  	_ =	strace s5  }
0x95: {  	s5 =	sld [smem:$0x3FFC];
	_ =	sdelay $0x3  }
0x96: {  	_ =	strace s5  }
0x97: {  	s5 =	sld [smem:$0x3FFD];
	_ =	sdelay $0x3  }
0x98: {  	_ =	strace s5  }
0x99: {  	_ =	strace $0x8FFFFFFF  }
0x9a: {  	s20 =	sld [smem:$0x3FDB];
	_ =	sdelay $0x1  }
0x9b: {  	s6 =	simm.s32 $_scs_section_size  }
0x9c: {  	s7 =	simm.s32 $_size__tile_overlayer_lowered;
	s8 =	simm.s32 $_tile_overlayer_lowered  }
0x9d: {  	s23 =	simm.s32 $0x1BFF;
	s22 =	sshll.u32 s8, $0x1;
	s5 =	sadd.s32 s6, s20  }
0x9e: {  	s9 =	simm.s32 $0x0;
	s21 =	sshll.u32 s7, $0x1;
	s7 =	sadd.s32 s22, s5  }
0x9f: {  	[timem:s9], [sflag:s23] =	dma.local [hbm:s7], s21  }
0xa0: {  	_ =	swait.ge [sflag:s23], s21  }
0xa1: {  	s6 =	ssub.s32 $0x0, s21;
	[sflag:s23] =	ssyncset.done $0x0  }
0xa2: {  	[sflag:s23] =	ssyncadd.s32 s6;
	_ =	sdelay $0x1  }
0xa3: {  	s24 =	simm.s32 $0x1B8B  }
0xa4: {  	_ =	swait.ge [sflag:s24], $0x1  }
0xa5: {  	[sflag:s24] =	ssyncset.done $0x0  }
0xa6: {  	s25 =	simm.s32 $0x1B8E;
	[sflag:s24] =	ssyncadd.s32 $0xFFFFFFFF  }
0xa7: {  	s26 =	simm.s32 $execute0_lowered;
	[smem:$0x3FD2] =	sst s25  }
0xa8: {  	s6 =	sshll.u32 s26, $0x1;
	_ =	strace $0x80000046;
	[dreg:$0x1] =	wrdreg $0xFFFFFFFF  }
0xa9: {  	s28 =	simm.s32 $_size_execute0_lowered;
	s5 =	sadd.s32 s5, s6;
	[dreg:$0x0] =	wrdreg $0x0  }
0xaa: {  	s6 =	sshll.u32 s28, $0x1;
	[dreg:$0x2] =	wrdreg s5  }
0xab: {  	[dreg:$0x3] =	wrdreg s6  }
0xac: {  	[dreg:$0x4] =	wrdreg $0xC0  }
0xad: {  	_ =	task [dreg:s9], $0x5FFFF  }
0xae: {  	[dreg:$0x1] =	wrdreg $0xFFFFFFFF  }
0xaf: {  	[dreg:$0x0] =	wrdreg $0x60  }
0xb0: {  	[dreg:$0x2] =	wrdreg s2  }
0xb1: {  	[dreg:$0x3] =	wrdreg s19  }
0xb2: {  	[dreg:$0x4] =	wrdreg s4  }
0xb3: {  	[dreg:$0x5] =	wrdreg $0x9  }
0xb4: {  	_ =	task.clear_ibuf [dreg:s9], $0x6FFFF;
	_ =	strace $0x90000046  }
0xb5: {  	s29 =	simm.s32 $0x9;
	_ =	strace $0x80000048  }
0xb6: {  	_ =	swait.ge [sflag:s29], $0x1  }
0xb7: {  	[sflag:s29] =	ssyncadd.s32 $0xFFFFFFFF  }
0xb8: {  	_ =	strace $0x90000048  }
0xb9: {  	_ =	sfence  }
0xba: {  	s30 =	sld [smem:$0x0];
	_ =	sdelay $0x2  }
0xbb: {  	s31 =	sshll.u32 s1, $0xD;
	s1 =	sshrl.u32 s1, $0x2  }
0xbc: {  	s3 =	sand.u32 $0x4000, s31;
	s1 =	sadd.s32 s1, s30  }
0xbd: {  	s0 =	sor.u32 s3, s0;
	s1 =	sshll.u32 s1, $0x11  }
0xbe: {  	s0 =	sor.u32 s1, s0  }
0xbf: {  	s0 =	sadd.s32 $0x8F2B, s0  }
0xc0: {  	[sflag:s0] =	ssyncadd.remote.s32 $0x1  }
0xc1: {  	_ =	sfence.sel $0xFFFF  }
0xc2: {  	[dreg:$0x0] =	wrdreg $0xFFFFFFFF;
	(pc) =	sbr.abs _section_cstart, $3  }
0xc3: {  	[dreg:$0x1] =	wrdreg $0xFFFFFFFF  }
0xc4: {  	_ =	task.clear_ibuf [dreg:s9], $0x2FFFF;
	_ =	strace $0x9FFFFFFF  }
0xc5: {  	(tm) =	ssettm $0x7FFFFFFF  }
tec
execute0_lowered:
.L_overlay_start_1:
0x0: {  	(tag) =	ssettag $0x1  }
0x1: {  	s4 =	rddreg [dreg:$0x0]  }
0x2: {  	s1 =	rddreg [dreg:$0x1]  }
0x3: {  	s5 =	rddreg [dreg:$0x2]  }
0x4: {  	s0 =	rddreg [dreg:$0x3];
	s6 =	srdreg.scid  }
0x5: {  	s3 =	simm.s32 $0x0;
	s2 =	stileid.u32;
	s10 =	simm.s32 $0x400  }
0x6: {  	s11 =	simm.s32 $0x4C00;
	s12 =	simm.s32 $0x3;
	s13 =	simm.s32 $0x0  }
0x7: {  	s6 =	sand.u32 $0x1, s6;
	s8 =	sshll.u32 s2, $0x9;
	[smem:$0x7FF] =	sst s3  }
0x8: {  	v0 =	vlaneseq.u32;
	s7 =	ssub.s32 $0x2, s6;
	s6 =	sshll.u32 s6, $0x8;
	_ =	strace $0x80000047  }
0x9: {  	v4 =	vimm.s32 $0x0;
	v7 =	vor.u32 $0x1FF0, v0;
	s9 =	sshrl.u32 s7, $0x1;
	s6 =	sor.u32 s6, s8;
	s8 =	simm.s32 $0x1  }
0xa: {  	v2 =	vor.u32 $0x2000, v0;
	v61 =	vor.u32 $0xFF0, v0;
	v1 =	vor.u32 $0x7F0, v0;
	s7 =	ssub.s32 s7, s9;
	s4 =	sadd.s32 s4, s6;
	s5 =	sadd.s32 s5, s6  }
0xb: {  	v3 =	vor.u32 $0x3F0, v0;
	v5 =	vor.u32 $0x70, v0;
	v63 =	vor.u32 $0x3FF0, v0;
	[tilespmem:$0x1FFF0] =	vst v7;
	s9 =	simm.s32 $0x2;
	s6 =	smax.u32 s7, $0x1;
	s7 =	simm.s32 $0x4400  }
.LBB2_1:
0xc: {  	[tilespmem:s3], [sflag:$0x1] =	stream.linear.gather [hbm4b:s1+s3], $0x400, $0x38;
	[tilespmem:$0x5400] =	vst v63  }
0xd: {  	_ = 	snop  }
0xe: {  	[tilespmem:s7], [sflag:$0x2] =	stream.linear.gather [hbm4b:s4+s3], $0x800, $0x38;
	[tilespmem:$0x5400] =	vst v63  }
0xf: {  	_ =	swait.ge [sflag:s8], $0x400  }
0x10: {  	[sflag:s8] =	ssyncset.done $0x0  }
0x11: {  	s14 =	simm.s32 $0x10;
	[sflag:s8] =	ssyncadd.s32 $0xFFFFFC00  }
0x12: {  	v9 =	vld [tilespmem:s14+$0x0]  }
0x13: {  	v10 =	vld [tilespmem:s14+$0xFFFFFFF0];
	_ =	sdelay $0x3  }
0x14: {  	v9 =	vadd.f32 $0.0e+00, v9  }
0x15: {  	v10 =	vadd.f32 $0.0e+00, v10  }
0x16: {  	v11 =	vbroadcast v9, $0xF  }
0x17: {  	s14 =	simm.s32 $0x500;
	v12 =	vbroadcast v10, $0x0  }
0x18: {  	v13 =	vbroadcast v10, $0x1;
	[tilespmem:s14+$0xF0] =	vst v11  }
0x19: {  	v14 =	vbroadcast v9, $0x2;
	[tilespmem:s14+$0xFFFFFF00] =	vst v12  }
0x1a: {  	v15 =	vbroadcast v9, $0x3;
	[tilespmem:s14+$0xFFFFFF10] =	vst v13  }
0x1b: {  	v18 =	vbroadcast v9, $0x4;
	[tilespmem:s14+$0x20] =	vst v14  }
0x1c: {  	v19 =	vbroadcast v9, $0x5;
	[tilespmem:s14+$0x30] =	vst v15  }
0x1d: {  	v11 =	vbroadcast v10, $0x2;
	[tilespmem:s14+$0x40] =	vst v18  }
0x1e: {  	v12 =	vbroadcast v10, $0x3;
	[tilespmem:s14+$0x50] =	vst v19  }
0x1f: {  	v13 =	vbroadcast v10, $0x4;
	[tilespmem:s14+$0xFFFFFF20] =	vst v11  }
0x20: {  	v11 =	vbroadcast v10, $0x5;
	[tilespmem:s14+$0xFFFFFF30] =	vst v12  }
0x21: {  	v12 =	vbroadcast v10, $0x6;
	[tilespmem:s14+$0xFFFFFF40] =	vst v13  }
0x22: {  	v13 =	vbroadcast v10, $0x7;
	[tilespmem:s14+$0xFFFFFF50] =	vst v11  }
0x23: {  	v11 =	vbroadcast v10, $0x8;
	[tilespmem:s14+$0xFFFFFF60] =	vst v12  }
0x24: {  	v12 =	vbroadcast v10, $0x9;
	[tilespmem:s14+$0xFFFFFF70] =	vst v13  }
0x25: {  	v13 =	vbroadcast v10, $0xA;
	[tilespmem:s14+$0xFFFFFF80] =	vst v11  }
0x26: {  	v11 =	vbroadcast v10, $0xB;
	[tilespmem:s14+$0xFFFFFF90] =	vst v12  }
0x27: {  	v12 =	vbroadcast v10, $0xC;
	[tilespmem:s14+$0xFFFFFFA0] =	vst v13  }
0x28: {  	v16 =	vbroadcast v9, $0x9;
	v13 =	vbroadcast v10, $0xD;
	[tilespmem:s14+$0xFFFFFFB0] =	vst v11  }
0x29: {  	v17 =	vbroadcast v9, $0xB;
	v11 =	vbroadcast v10, $0xE;
	[tilespmem:s14+$0xFFFFFFC0] =	vst v12  }
0x2a: {  	v14 =	vbroadcast v9, $0xA;
	v10 =	vbroadcast v10, $0xF;
	[tilespmem:s14+$0xFFFFFFD0] =	vst v13  }
0x2b: {  	v15 =	vbroadcast v9, $0xD;
	v12 =	vbroadcast v9, $0x0;
	[tilespmem:s14+$0xFFFFFFE0] =	vst v11  }
0x2c: {  	v13 =	vbroadcast v9, $0x7;
	v11 =	vbroadcast v9, $0x1;
	[tilespmem:s14+$0xFFFFFFF0] =	vst v10  }
0x2d: {  	[tilespmem:s14+$0x0] =	vst v12;
	v12 =	vbroadcast v9, $0x6;
	v10 =	vbroadcast v9, $0x8  }
0x2e: {  	s15 =	simm.s32 $0x0;
	s16 =	simm.s32 $0x30;
	[tilespmem:s14+$0x10] =	vst v11;
	v11 =	vbroadcast v9, $0xC;
	v9 =	vbroadcast v9, $0xE  }
.LBB2_2:
0x2f: {  	v18 =	vld [tilespmem:s16+$0x0];
	s15 =	sadd.s32 $0x2, s15;
	[tilespmem:s14+$0x60] =	vst v12  }
0x30: {  	v12 =	vld [tilespmem:s16+$0xFFFFFFF0];
	p0 =	slt.u32 s15, $0x3E;
	[tilespmem:s14+$0x70] =	vst v13  }
0x31: {  	[tilespmem:s14+$0x80] =	vst v10  }
0x32: {  	[tilespmem:s14+$0x90] =	vst v16  }
0x33: {  	[tilespmem:s14+$0xA0] =	vst v14  }
0x34: {  	v18 =	vadd.f32 $0.0e+00, v18;
	[tilespmem:s14+$0xB0] =	vst v17  }
0x35: {  	v10 =	vadd.f32 $0.0e+00, v12;
	[tilespmem:s14+$0xC0] =	vst v11  }
0x36: {  	v19 =	vbroadcast v18, $0x0;
	v11 =	vbroadcast v18, $0xF;
	[tilespmem:s14+$0xD0] =	vst v15  }
0x37: {  	v12 =	vbroadcast v10, $0x0;
	v13 =	vbroadcast v10, $0x1;
	[tilespmem:s14+$0xE0] =	vst v9;
	s14 =	sadd.s32 $0x200, s14  }
0x38: {  	v9 =	vbroadcast v10, $0x2;
	v14 =	vbroadcast v10, $0x3;
	[tilespmem:s14+$0xF0] =	vst v11  }
0x39: {  	v11 =	vbroadcast v10, $0x4;
	[tilespmem:s14+$0xFFFFFF00] =	vst v12;
	v12 =	vbroadcast v10, $0x5  }
0x3a: {  	v15 =	vbroadcast v10, $0x7;
	[tilespmem:s14+$0xFFFFFF10] =	vst v13;
	v13 =	vbroadcast v10, $0x6  }
0x3b: {  	v16 =	vbroadcast v10, $0x9;
	[tilespmem:s14+$0xFFFFFF20] =	vst v9;
	v9 =	vbroadcast v10, $0x8  }
0x3c: {  	v17 =	vbroadcast v10, $0xB;
	[tilespmem:s14+$0xFFFFFF30] =	vst v14;
	v14 =	vbroadcast v10, $0xA  }
0x3d: {  	v20 =	vbroadcast v10, $0xC;
	v21 =	vbroadcast v10, $0xD;
	[tilespmem:s14+$0xFFFFFF40] =	vst v11  }
0x3e: {  	v22 =	vbroadcast v10, $0xE;
	v23 =	vbroadcast v10, $0xF;
	[tilespmem:s14+$0xFFFFFF50] =	vst v12  }
0x3f: {  	v24 =	vbroadcast v18, $0x1;
	v25 =	vbroadcast v18, $0x2;
	[tilespmem:s14+$0xFFFFFF60] =	vst v13  }
0x40: {  	v26 =	vbroadcast v18, $0x3;
	v27 =	vbroadcast v18, $0x4;
	[tilespmem:s14+$0xFFFFFF70] =	vst v15  }
0x41: {  	v28 =	vbroadcast v18, $0x5;
	v12 =	vbroadcast v18, $0x6;
	[tilespmem:s14+$0xFFFFFF80] =	vst v9  }
0x42: {  	v10 =	vbroadcast v18, $0x8;
	v13 =	vbroadcast v18, $0x7;
	[tilespmem:s14+$0xFFFFFF90] =	vst v16  }
0x43: {  	v16 =	vbroadcast v18, $0x9;
	[tilespmem:s14+$0xFFFFFFA0] =	vst v14;
	v14 =	vbroadcast v18, $0xA  }
0x44: {  	v11 =	vbroadcast v18, $0xC;
	[tilespmem:s14+$0xFFFFFFB0] =	vst v17;
	v17 =	vbroadcast v18, $0xB  }
0x45: {  	v15 =	vbroadcast v18, $0xD;
	v9 =	vbroadcast v18, $0xE;
	[tilespmem:s14+$0xFFFFFFC0] =	vst v20  }
0x46: {  	[tilespmem:s14+$0xFFFFFFD0] =	vst v21  }
0x47: {  	[tilespmem:s14+$0xFFFFFFE0] =	vst v22  }
0x48: {  	[tilespmem:s14+$0xFFFFFFF0] =	vst v23  }
0x49: {  	[tilespmem:s14+$0x0] =	vst v19  }
.Ltmp0:
0x4a: {  	[tilespmem:s14+$0x10] =	vst v24;
	(pc) =	sbr.rel @p0 .LBB2_2-.Ltmp0, $4  }
0x4b: {  	[tilespmem:s14+$0x20] =	vst v25  }
0x4c: {  	[tilespmem:s14+$0x30] =	vst v26  }
0x4d: {  	[tilespmem:s14+$0x40] =	vst v27  }
0x4e: {  	s16 =	sadd.s32 $0x20, s16;
	[tilespmem:s14+$0x50] =	vst v28  }
0x4f: {  	[tilespmem:s14+$0x60] =	vst v12  }
0x50: {  	[tilespmem:s14+$0x70] =	vst v13  }
0x51: {  	[tilespmem:s14+$0x80] =	vst v10  }
0x52: {  	[tilespmem:s14+$0x90] =	vst v16  }
0x53: {  	[tilespmem:s14+$0xA0] =	vst v14  }
0x54: {  	[tilespmem:s14+$0xB0] =	vst v17  }
0x55: {  	[tilespmem:s14+$0xC0] =	vst v11  }
0x56: {  	[tilespmem:s14+$0xD0] =	vst v15  }
0x57: {  	[tilespmem:s14+$0xE0] =	vst v9  }
0x58: {  	_ =	swait.ge [sflag:s9], $0x800  }
0x59: {  	[sflag:s9] =	ssyncset.done $0x0  }
0x5a: {  	[sflag:s9] =	ssyncadd.s32 $0xFFFFF800  }
0x5b: {  	s30 =	simm.s32 $0x4420;
	v16 =	vld.idx.msk [tilespmem:v7+s10+$0x0], $0xffff  }
0x5c: {  	v24 =	vld [tilespmem:s30+$0x10];
	_ =	sdelay $0x4  }
0x5d: {  	vm0 =	vlt.f32 v16, v24  }
0x5e: {  	v9 =	vsel vm0, v2, v0  }
0x5f: {  	v10 =	vand.u32 $0x2000, v9  }
0x60: {  	v10 =	vor.u32 v61, v10;
	_ =	sdelay $0x4  }
0x61: {  	v10 =	vld.idx.msk [tilespmem:v10+s10+$0x0], $0xffff;
	_ =	sdelay $0x4  }
0x62: {  	vm0 =	vlt.f32 v10, v24  }
0x63: {  	v10 =	vsel vm0, $0x1000, v4  }
0x64: {  	v12 =	vor.u32 v9, v10  }
0x65: {  	v9 =	vand.u32 $0x3000, v12  }
0x66: {  	v9 =	vor.u32 v1, v9;
	_ =	sdelay $0x4  }
0x67: {  	v9 =	vld.idx.msk [tilespmem:v9+s10+$0x0], $0xffff;
	_ =	sdelay $0x4  }
0x68: {  	v11 =	vld [tilespmem:s30+$0xFFFFFFE0];
	vm0 =	vlt.f32 v9, v24  }
0x69: {  	v59 =	vld [tilespmem:s30+$0xFFFFFFF0];
	v13 =	vsel vm0, $0x800, v4  }
0x6a: {  	v58 =	vld [tilespmem:s30+$0x0];
	v12 =	vor.u32 v13, v12  }
0x6b: {  	v13 =	vand.u32 $0x3800, v12  }
0x6c: {  	v13 =	vor.u32 v3, v13  }
0x6d: {  	vm0 =	vlt.f32 v16, v11  }
0x6e: {  	vm1 =	vlt.f32 v16, v59;
	v14 =	vsel vm0, v2, v0  }
0x6f: {  	v15 =	vsel vm1, v2, v0;
	vm0 =	vlt.f32 v16, v58;
	v17 =	vand.u32 $0x2000, v14  }
0x70: {  	v18 =	vand.u32 $0x2000, v15;
	v19 =	vsel vm0, v2, v0;
	v17 =	vor.u32 v61, v17  }
0x71: {  	v18 =	vor.u32 v61, v18;
	v20 =	vand.u32 $0x2000, v19;
	v13 =	vld.idx.msk [tilespmem:v13+s10+$0x0], $0xffff  }
0x72: {  	v20 =	vor.u32 v61, v20;
	_ =	sdelay $0x2  }
0x73: {  	v17 =	vld.idx.msk [tilespmem:v17+s10+$0x0], $0xffff  }
0x74: {  	v18 =	vld.idx.msk [tilespmem:v18+s10+$0x0], $0xffff;
	vm0 =	vlt.f32 v13, v24  }
0x75: {  	v13 =	vld.idx.msk [tilespmem:v20+s10+$0x0], $0xffff;
	v20 =	vsel vm0, $0x400, v4  }
0x76: {  	v12 =	vor.u32 v20, v12  }
0x77: {  	v20 =	vor.u32 $0x1F0, v12  }
0x78: {  	vm0 =	vlt.f32 v17, v11  }
0x79: {  	vm1 =	vlt.f32 v18, v59;
	v17 =	vsel vm0, $0x1000, v4  }
0x7a: {  	v14 =	vor.u32 v14, v17;
	vm0 =	vlt.f32 v13, v58;
	v13 =	vsel vm1, $0x1000, v4  }
0x7b: {  	v17 =	vsel vm0, $0x1000, v4;
	v13 =	vor.u32 v15, v13;
	v15 =	vand.u32 $0x3000, v14  }
0x7c: {  	v17 =	vor.u32 v19, v17;
	v18 =	vand.u32 $0x3000, v13;
	v15 =	vor.u32 v1, v15;
	v19 =	vld.idx.msk [tilespmem:v20+s10+$0x0], $0xffff  }
0x7d: {  	v20 =	vand.u32 $0x3000, v17;
	v18 =	vor.u32 v1, v18  }
0x7e: {  	v20 =	vor.u32 v1, v20;
	_ =	sdelay $0x2  }
0x7f: {  	v15 =	vld.idx.msk [tilespmem:v15+s10+$0x0], $0xffff;
	vm0 =	vlt.f32 v19, v24  }
0x80: {  	v18 =	vld.idx.msk [tilespmem:v18+s10+$0x0], $0xffff;
	v19 =	vsel vm0, $0x200, v4  }
0x81: {  	v20 =	vld.idx.msk [tilespmem:v20+s10+$0x0], $0xffff;
	v12 =	vor.u32 v19, v12  }
0x82: {  	v19 =	vor.u32 $0xF0, v12;
	_ =	sdelay $0x1  }
0x83: {  	vm0 =	vlt.f32 v15, v11  }
0x84: {  	v15 =	vsel vm0, $0x800, v4;
	vm0 =	vlt.f32 v18, v59  }
0x85: {  	v18 =	vsel vm0, $0x800, v4;
	vm0 =	vlt.f32 v20, v58;
	v14 =	vor.u32 v15, v14  }
0x86: {  	v13 =	vor.u32 v18, v13;
	v15 =	vsel vm0, $0x800, v4;
	v18 =	vand.u32 $0x3800, v14;
	v19 =	vld.idx.msk [tilespmem:v19+s10+$0x0], $0xffff  }
0x87: {  	v20 =	vand.u32 $0x3800, v13;
	v15 =	vor.u32 v15, v17;
	v17 =	vor.u32 v3, v18  }
0x88: {  	v18 =	vor.u32 v3, v20;
	v20 =	vand.u32 $0x3800, v15  }
0x89: {  	v20 =	vor.u32 v3, v20;
	_ =	sdelay $0x1  }
0x8a: {  	vm0 =	vlt.f32 v19, v24  }
0x8b: {  	v17 =	vld.idx.msk [tilespmem:v17+s10+$0x0], $0xffff;
	v19 =	vsel vm0, $0x100, v4  }
0x8c: {  	v18 =	vld.idx.msk [tilespmem:v18+s10+$0x0], $0xffff;
	v12 =	vor.u32 v19, v12  }
0x8d: {  	v19 =	vld.idx.msk [tilespmem:v20+s10+$0x0], $0xffff;
	v20 =	vand.u32 $0xFFFFFF80, v12  }
0x8e: {  	v20 =	vor.u32 v5, v20;
	_ =	sdelay $0x1  }
0x8f: {  	vm0 =	vlt.f32 v17, v11  }
0x90: {  	v17 =	vsel vm0, $0x400, v4;
	vm0 =	vlt.f32 v18, v59  }
0x91: {  	v18 =	vsel vm0, $0x400, v4;
	vm0 =	vlt.f32 v19, v58;
	v14 =	vor.u32 v17, v14  }
0x92: {  	v17 =	vsel vm0, $0x400, v4;
	v19 =	vor.u32 $0x1F0, v14;
	v13 =	vor.u32 v18, v13;
	v18 =	vld.idx.msk [tilespmem:v20+s10+$0x0], $0xffff  }
0x93: {  	v15 =	vor.u32 v17, v15;
	v17 =	vor.u32 $0x1F0, v13  }
0x94: {  	v20 =	vor.u32 $0x1F0, v15;
	_ =	sdelay $0x2  }
0x95: {  	v19 =	vld.idx.msk [tilespmem:v19+s10+$0x0], $0xffff;
	vm0 =	vlt.f32 v18, v24  }
0x96: {  	v17 =	vld.idx.msk [tilespmem:v17+s10+$0x0], $0xffff;
	v18 =	vsel vm0, $0x80, v4  }
0x97: {  	v20 =	vld.idx.msk [tilespmem:v20+s10+$0x0], $0xffff;
	v12 =	vor.u32 v18, v12  }
0x98: {  	v18 =	vadd.s32 $0x30, v12;
	_ =	sdelay $0x1  }
0x99: {  	vm0 =	vlt.f32 v19, v11  }
0x9a: {  	v19 =	vsel vm0, $0x200, v4;
	vm0 =	vlt.f32 v17, v59  }
0x9b: {  	v17 =	vsel vm0, $0x200, v4;
	vm0 =	vlt.f32 v20, v58;
	v14 =	vor.u32 v19, v14  }
0x9c: {  	v19 =	vsel vm0, $0x200, v4;
	v13 =	vor.u32 v17, v13;
	v17 =	vor.u32 $0xF0, v14;
	v18 =	vld.idx.msk [tilespmem:v18+s10+$0x0], $0xffff  }
0x9d: {  	v15 =	vor.u32 v19, v15;
	v19 =	vor.u32 $0xF0, v13  }
0x9e: {  	v20 =	vor.u32 $0xF0, v15;
	_ =	sdelay $0x2  }
0x9f: {  	v17 =	vld.idx.msk [tilespmem:v17+s10+$0x0], $0xffff;
	vm0 =	vlt.f32 v18, v24  }
0xa0: {  	v18 =	vld.idx.msk [tilespmem:v19+s10+$0x0], $0xffff;
	v19 =	vsel vm0, $0x40, v4  }
0xa1: {  	v20 =	vld.idx.msk [tilespmem:v20+s10+$0x0], $0xffff;
	v12 =	vadd.s32 v19, v12  }
0xa2: {  	v19 =	vadd.s32 $0x10, v12;
	_ =	sdelay $0x1  }
0xa3: {  	vm0 =	vlt.f32 v17, v11  }
0xa4: {  	v17 =	vsel vm0, $0x100, v4;
	vm0 =	vlt.f32 v18, v59  }
0xa5: {  	v18 =	vsel vm0, $0x100, v4;
	vm0 =	vlt.f32 v20, v58;
	v14 =	vor.u32 v17, v14  }
0xa6: {  	v17 =	vsel vm0, $0x100, v4;
	v13 =	vor.u32 v18, v13;
	v18 =	vand.u32 $0xFFFFFF80, v14;
	v19 =	vld.idx.msk [tilespmem:v19+s10+$0x0], $0xffff  }
0xa7: {  	v15 =	vor.u32 v17, v15;
	v17 =	vand.u32 $0xFFFFFF80, v13;
	v18 =	vor.u32 v5, v18  }
0xa8: {  	v17 =	vor.u32 v5, v17  }
0xa9: {  	v20 =	vand.u32 $0xFFFFFF80, v15  }
0xaa: {  	v20 =	vor.u32 v5, v20  }
0xab: {  	vm0 =	vlt.f32 v19, v24  }
0xac: {  	v18 =	vld.idx.msk [tilespmem:v18+s10+$0x0], $0xffff;
	v19 =	vsel vm0, $0x20, v4  }
0xad: {  	v17 =	vld.idx.msk [tilespmem:v17+s10+$0x0], $0xffff;
	v12 =	vadd.s32 v19, v12;
	_ =	sdelay $0x1  }
0xae: {  	v19 =	vld.idx.msk [tilespmem:v20+s10+$0x0], $0xffff;
	_ =	sdelay $0x1  }
0xaf: {  	vm0 =	vlt.f32 v18, v11  }
0xb0: {  	v18 =	vsel vm0, $0x80, v4;
	vm0 =	vlt.f32 v17, v59;
	v17 =	vld.idx.msk [tilespmem:v12+s10+$0x0], $0xffff  }
0xb1: {  	v14 =	vor.u32 v18, v14  }
0xb2: {  	v20 =	vsel vm0, $0x80, v4;
	vm0 =	vlt.f32 v19, v58;
	v19 =	vadd.s32 $0x30, v14  }
0xb3: {  	v18 =	vsel vm0, $0x80, v4;
	v13 =	vor.u32 v20, v13  }
0xb4: {  	v15 =	vor.u32 v18, v15;
	v18 =	vadd.s32 $0x30, v13  }
0xb5: {  	v20 =	vadd.s32 $0x30, v15;
	vm0 =	vlt.f32 v17, v24  }
0xb6: {  	v17 =	vsel vm0, $0x10, v4  }
0xb7: {  	v19 =	vld.idx.msk [tilespmem:v19+s10+$0x0], $0xffff;
	v12 =	vadd.s32 v17, v12;
	_ =	sdelay $0x1  }
0xb8: {  	v17 =	vld.idx.msk [tilespmem:v18+s10+$0x0], $0xffff  }
0xb9: {  	v18 =	vld.idx.msk [tilespmem:v20+s10+$0x0], $0xffff;
	_ =	sdelay $0x1  }
0xba: {  	vm0 =	vlt.f32 v19, v11;
	v19 =	vld.idx.msk [tilespmem:v12+s10+$0x0], $0xffff;
	_ =	sdelay $0x1  }
0xbb: {  	vm1 =	vlt.f32 v17, v59;
	v17 =	vsel vm0, $0x40, v4  }
0xbc: {  	vm0 =	vlt.f32 v18, v58;
	v17 =	vadd.s32 v17, v14;
	v14 =	vsel vm1, $0x40, v4  }
0xbd: {  	s31 =	simm.s32 $0x4460;
	v23 =	vld.idx.msk [tilespmem:v7+s10+$0x0], $0xffff;
	v18 =	vsel vm0, $0x40, v4;
	v20 =	vadd.s32 $0x10, v17;
	v21 =	vadd.s32 v14, v13  }
0xbe: {  	v18 =	vadd.s32 v18, v15;
	v13 =	vadd.s32 $0x10, v21;
	v15 =	vld [tilespmem:s31+$0x10];
	vm0 =	vlt.f32 v19, v24  }
0xbf: {  	v14 =	vadd.s32 $0x10, v18;
	v19 =	vsel vm0, $0x10, v4  }
0xc0: {  	v19 =	vadd.s32 v19, v12  }
0xc1: {  	v8 =	vld [tilespmem:s31+$0xFFFFFFE0];
	v12 =	vadd.s32 $0xFFFFFFF0, v19  }
0xc2: {  	v20 =	vld.idx.msk [tilespmem:v20+s10+$0x0], $0xffff;
	v25 =	vmin.u32 v19, v63;
	vm0 =	vgt.s32 v12, v0  }
0xc3: {  	v22 =	vld.idx.msk [tilespmem:v13+s10+$0x0], $0xffff;
	vm1 =	vlt.f32 v23, v15;
	v27 =	vsel vm0, v12, v0  }
0xc4: {  	v26 =	vld.idx.msk [tilespmem:v14+s10+$0x0], $0xffff;
	v29 =	vsel vm1, v2, v0  }
0xc5: {  	v62 =	vld [tilespmem:s31+$0xFFFFFFF0];
	v28 =	vand.u32 $0x2000, v29  }
0xc6: {  	v13 =	vld [tilespmem:s31+$0x0];
	v28 =	vor.u32 v61, v28  }
0xc7: {  	vm0 =	vlt.f32 v20, v11;
	v20 =	vld.idx.msk [tilespmem:v25+s10+$0x0], $0xffff  }
0xc8: {  	v25 =	vsel vm0, $0x20, v4;
	vm0 =	vlt.f32 v22, v59;
	v22 =	vld.idx.msk [tilespmem:v27+s10+$0x0], $0xffff  }
0xc9: {  	vm1 =	vlt.f32 v23, v8;
	v27 =	vsel vm0, $0x20, v4;
	vm0 =	vlt.f32 v26, v58  }
0xca: {  	v17 =	vadd.s32 v25, v17;
	v25 =	vsel vm0, $0x20, v4;
	v21 =	vadd.s32 v27, v21  }
0xcb: {  	vm0 =	vlt.f32 v23, v62;
	v26 =	vld.idx.msk [tilespmem:v28+s10+$0x0], $0xffff;
	v27 =	vsel vm1, v2, v0;
	vm1 =	vlt.u32 v19, $0x4000  }
0xcc: {  	v19 =	vsub.f32 v24, v16;
	v18 =	vadd.s32 v25, v18;
	v25 =	vsel vm0, v2, v0  }
0xcd: {  	vm0 =	vlt.f32 v23, v13;
	v20 =	vsub.f32 v20, v24;
	v22 =	vsub.f32 v24, v22  }
0xce: {  	v31 =	vand.u32 $0x2000, v27;
	v28 =	vand.u32 $0x2000, v25;
	v30 =	vsel vm0, v2, v0  }
0xcf: {  	v31 =	vor.u32 v61, v31;
	v32 =	vor.u32 v61, v28;
	vm0 =	vgt.f32 v22, v20  }
0xd0: {  	v28 =	vand.u32 $0x2000, v30;
	vm2 =	vlt.f32 v26, v15;
	vm0 =	vmand vm0, vm1  }
0xd1: {  	v33 =	vor.u32 v61, v28;
	v26 =	vld.idx.msk [tilespmem:v17+s10+$0x0], $0xffff;
	v34 =	vsel vm2, $0x1000, v4;
	v28 =	vsel vm0, v20, v22  }
0xd2: {  	v20 =	vld.idx.msk [tilespmem:v21+s10+$0x0], $0xffff;
	v22 =	vor.u32 v29, v34;
	vm0 =	vgt.f32 v19, v28  }
0xd3: {  	v19 =	vld.idx.msk [tilespmem:v18+s10+$0x0], $0xffff;
	v29 =	vand.u32 $0x3000, v22;
	v38 =	vsel vm0, v2, v0  }
0xd4: {  	v31 =	vld.idx.msk [tilespmem:v31+s10+$0x0], $0xffff;
	v29 =	vor.u32 v1, v29;
	v35 =	vand.u32 $0x2000, v38  }
0xd5: {  	v32 =	vld.idx.msk [tilespmem:v32+s10+$0x0], $0xffff;
	v35 =	vor.u32 v61, v35  }
0xd6: {  	v33 =	vld.idx.msk [tilespmem:v33+s10+$0x0], $0xffff  }
0xd7: {  	vm0 =	vlt.f32 v26, v11  }
0xd8: {  	vm1 =	vlt.f32 v20, v59;
	v20 =	vsel vm0, $0x10, v4;
	vm0 =	vlt.f32 v19, v58  }
0xd9: {  	v19 =	vsel vm1, $0x10, v4;
	v17 =	vadd.s32 v20, v17;
	v20 =	vsel vm0, $0x10, v4;
	v26 =	vld.idx.msk [tilespmem:v29+s10+$0x0], $0xffff  }
0xda: {  	vm1 =	vlt.f32 v32, v62;
	vm0 =	vlt.f32 v31, v8;
	v18 =	vadd.s32 v20, v18;
	v20 =	vld.idx.msk [tilespmem:v35+s10+$0x0], $0xffff  }
0xdb: {  	vm2 =	vlt.f32 v33, v13;
	v19 =	vadd.s32 v19, v21;
	v21 =	vsel vm0, $0x1000, v4  }
0xdc: {  	v29 =	vsel vm1, $0x1000, v4;
	v31 =	vsel vm2, $0x1000, v4;
	v21 =	vor.u32 v27, v21  }
0xdd: {  	v25 =	vor.u32 v25, v29;
	v27 =	vor.u32 v30, v31;
	v29 =	vand.u32 $0x3000, v21  }
0xde: {  	v30 =	vand.u32 $0x3000, v25;
	v31 =	vand.u32 $0x3000, v27;
	v29 =	vor.u32 v1, v29  }
0xdf: {  	v30 =	vor.u32 v1, v30;
	v39 =	vld.idx.msk [tilespmem:v17+s10+$0x0], $0xffff;
	vm0 =	vlt.f32 v26, v15;
	v20 =	vsub.f32 v24, v20  }
0xe0: {  	v31 =	vor.u32 v1, v31;
	v26 =	vld.idx.msk [tilespmem:v19+s10+$0x0], $0xffff;
	v40 =	vsel vm0, $0x800, v4  }
0xe1: {  	v41 =	vld.idx.msk [tilespmem:v18+s10+$0x0], $0xffff;
	v22 =	vor.u32 v40, v22;
	vm0 =	vgt.f32 v20, v28  }
0xe2: {  	v20 =	vand.u32 $0x3800, v22;
	v42 =	vsel vm0, $0x1000, v4  }
0xe3: {  	v29 =	vld.idx.msk [tilespmem:v29+s10+$0x0], $0xffff;
	v20 =	vor.u32 v3, v20;
	v33 =	vor.u32 v42, v38  }
0xe4: {  	v30 =	vld.idx.msk [tilespmem:v30+s10+$0x0], $0xffff;
	vm0 =	vlt.f32 v39, v11;
	v34 =	vand.u32 $0x3000, v33  }
0xe5: {  	vm1 =	vlt.f32 v26, v59;
	v26 =	vld.idx.msk [tilespmem:v31+s10+$0x0], $0xffff;
	v32 =	vsel vm0, $0x10, v4;
	v31 =	vor.u32 v1, v34  }
0xe6: {  	vm2 =	vlt.f32 v41, v58;
	v43 =	vsel vm1, $0x10, v4;
	v17 =	vadd.s32 v32, v17  }
0xe7: {  	v35 =	vsel vm2, $0x10, v4;
	v19 =	vadd.s32 v43, v19;
	v32 =	vadd.s32 $0xFFFFFFF0, v17  }
0xe8: {  	v18 =	vadd.s32 v35, v18;
	vm0 =	vlt.f32 v29, v8;
	vm1 =	vgt.s32 v32, v0;
	v20 =	vld.idx.msk [tilespmem:v20+s10+$0x0], $0xffff  }
0xe9: {  	v44 =	vsel vm0, $0x800, v4;
	vm0 =	vlt.f32 v30, v62;
	v32 =	vsel vm1, v32, v0  }
0xea: {  	v30 =	vsel vm0, $0x800, v4;
	vm0 =	vlt.f32 v26, v13;
	v21 =	vor.u32 v44, v21;
	v26 =	vld.idx.msk [tilespmem:v31+s10+$0x0], $0xffff  }
0xeb: {  	v25 =	vor.u32 v30, v25;
	v30 =	vsel vm0, $0x800, v4;
	v31 =	vand.u32 $0x3800, v21  }
0xec: {  	v45 =	vand.u32 $0x3800, v25;
	v27 =	vor.u32 v30, v27;
	v30 =	vor.u32 v3, v31  }
0xed: {  	v31 =	vor.u32 v3, v45;
	v46 =	vand.u32 $0x3800, v27;
	vm0 =	vlt.f32 v20, v15  }
0xee: {  	v29 =	vadd.s32 $0xFFFFFFF0, v19;
	v20 =	vor.u32 v3, v46;
	v47 =	vsel vm0, $0x400, v4  }
0xef: {  	v48 =	vadd.s32 $0xFFFFFFF0, v18;
	v22 =	vor.u32 v47, v22;
	v26 =	vsub.f32 v24, v26  }
0xf0: {  	vm1 =	vgt.s32 v48, v0;
	v32 =	vld.idx.msk [tilespmem:v32+s10+$0x0], $0xffff;
	vm0 =	vgt.s32 v29, v0;
	v49 =	vor.u32 $0x1F0, v22  }
0xf1: {  	v29 =	vsel vm0, v29, v0;
	v30 =	vld.idx.msk [tilespmem:v30+s10+$0x0], $0xffff;
	vm0 =	vgt.f32 v26, v28;
	v26 =	vsel vm1, v48, v0  }
0xf2: {  	v36 =	vmin.u32 v17, v63;
	v31 =	vld.idx.msk [tilespmem:v31+s10+$0x0], $0xffff;
	v50 =	vsel vm0, $0x800, v4  }
0xf3: {  	v20 =	vld.idx.msk [tilespmem:v20+s10+$0x0], $0xffff;
	v33 =	vor.u32 v50, v33  }
0xf4: {  	v51 =	vmin.u32 v19, v63;
	v37 =	vand.u32 $0x3800, v33  }
0xf5: {  	v40 =	vsub.f32 v59, v16;
	v38 =	vsub.f32 v11, v16;
	v35 =	vld.idx.msk [tilespmem:v49+s10+$0x0], $0xffff;
	v37 =	vor.u32 v3, v37  }
0xf6: {  	v41 =	vsub.f32 v58, v16;
	v39 =	vmin.u32 v18, v63;
	vm0 =	vlt.f32 v30, v8;
	v16 =	vld.idx.msk [tilespmem:v26+s10+$0x0], $0xffff  }
0xf7: {  	v32 =	vsub.f32 v11, v32;
	v26 =	vld.idx.msk [tilespmem:v36+s10+$0x0], $0xffff;
	v30 =	vsel vm0, $0x400, v4  }
0xf8: {  	v29 =	vld.idx.msk [tilespmem:v29+s10+$0x0], $0xffff;
	vm0 =	vlt.f32 v31, v62;
	vm1 =	vlt.f32 v20, v13;
	v21 =	vor.u32 v30, v21  }
0xf9: {  	v20 =	vld.idx.msk [tilespmem:v51+s10+$0x0], $0xffff;
	v31 =	vsel vm0, $0x400, v4;
	v30 =	vsel vm1, $0x400, v4;
	v52 =	vor.u32 $0x1F0, v21  }
0xfa: {  	v25 =	vor.u32 v31, v25;
	v27 =	vor.u32 v30, v27;
	vm0 =	vlt.f32 v35, v15;
	v31 =	vld.idx.msk [tilespmem:v37+s10+$0x0], $0xffff  }
0xfb: {  	v53 =	vld.idx.msk [tilespmem:v39+s10+$0x0], $0xffff;
	v30 =	vor.u32 $0x1F0, v25;
	v55 =	vor.u32 $0x1F0, v27;
	v54 =	vsel vm0, $0x200, v4  }
0xfc: {  	vm0 =	vlt.u32 v17, $0x4000;
	v22 =	vor.u32 v54, v22;
	v17 =	vsub.f32 v26, v11  }
0xfd: {  	vm2 =	vlt.u32 v18, $0x4000;
	v26 =	vor.u32 $0xF0, v22  }
0xfe: {  	vm1 =	vlt.u32 v19, $0x4000;
	v29 =	vsub.f32 v59, v29;
	vm3 =	vgt.f32 v32, v17  }
0xff: {  	v18 =	vsub.f32 v20, v59;
	v19 =	vld.idx.msk [tilespmem:v52+s10+$0x0], $0xffff;
	vm0 =	vmand vm3, vm0;
	v20 =	vsub.f32 v24, v31  }
0x100: {  	v56 =	vsub.f32 v53, v58;
	v30 =	vld.idx.msk [tilespmem:v30+s10+$0x0], $0xffff;
	v31 =	vsub.f32 v58, v16;
	v60 =	vsel vm0, v17, v32  }
0x101: {  	vm3 =	vgt.f32 v29, v18;
	v17 =	vld.idx.msk [tilespmem:v55+s10+$0x0], $0xffff;
	vm5 =	vgt.f32 v38, v60;
	vm0 =	vgt.f32 v20, v28  }
0x102: {  	vm4 =	vgt.f32 v31, v56;
	v20 =	vld.idx.msk [tilespmem:v26+s10+$0x0], $0xffff;
	v57 =	vsel vm5, v2, v0;
	v26 =	vsel vm0, $0x400, v4  }
0x103: {  	vm0 =	vmand vm3, vm1;
	vm1 =	vmand vm4, vm2;
	v38 =	vand.u32 $0x2000, v57  }
0x104: {  	vm2 =	vlt.f32 v19, v8;
	v26 =	vor.u32 v26, v33;
	v19 =	vor.u32 v61, v38  }
0x105: {  	v39 =	vor.u32 $0x1F0, v26  }
0x106: {  	vm3 =	vlt.f32 v30, v62;
	v30 =	vsel vm2, $0x200, v4;
	v18 =	vsel vm0, v18, v29  }
0x107: {  	v42 =	vsel vm3, $0x200, v4;
	vm2 =	vlt.f32 v17, v13;
	v21 =	vor.u32 v30, v21  }
0x108: {  	vm0 =	vgt.f32 v40, v18;
	v17 =	vsel vm2, $0x200, v4;
	vm2 =	vlt.f32 v20, v15  }
0x109: {  	v20 =	vor.u32 v42, v25;
	v25 =	vor.u32 $0xF0, v21;
	v30 =	vsel vm2, $0x100, v4;
	v19 =	vld.idx.msk [tilespmem:v19+s10+$0x0], $0xffff  }
0x10a: {  	v27 =	vor.u32 v17, v27;
	v33 =	vor.u32 $0xF0, v20;
	v22 =	vor.u32 v30, v22;
	v30 =	vld.idx.msk [tilespmem:v39+s10+$0x0], $0xffff  }
0x10b: {  	v17 =	vsel vm1, v56, v31;
	v29 =	vor.u32 $0xF0, v27;
	v43 =	vand.u32 $0xFFFFFF80, v22  }
0x10c: {  	v44 =	vsel vm0, v2, v0;
	vm1 =	vgt.f32 v41, v17;
	v31 =	vor.u32 v5, v43  }
0x10d: {  	v46 =	vand.u32 $0x2000, v44;
	v45 =	vsel vm1, v2, v0  }
0x10e: {  	v36 =	vor.u32 v61, v46;
	v47 =	vand.u32 $0x2000, v45;
	v25 =	vld.idx.msk [tilespmem:v25+s10+$0x0], $0xffff;
	v19 =	vsub.f32 v11, v19  }
0x10f: {  	v37 =	vor.u32 v61, v47;
	v33 =	vld.idx.msk [tilespmem:v33+s10+$0x0], $0xffff;
	v30 =	vsub.f32 v24, v30  }
0x110: {  	v29 =	vld.idx.msk [tilespmem:v29+s10+$0x0], $0xffff;
	vm1 =	vgt.f32 v19, v60  }
0x111: {  	v31 =	vld.idx.msk [tilespmem:v31+s10+$0x0], $0xffff;
	vm0 =	vgt.f32 v30, v28;
	v30 =	vsel vm1, $0x1000, v4  }
0x112: {  	v19 =	vsel vm0, $0x200, v4;
	v30 =	vor.u32 v30, v57  }
0x113: {  	vm0 =	vlt.f32 v25, v8;
	v19 =	vor.u32 v19, v26;
	v26 =	vld.idx.msk [tilespmem:v36+s10+$0x0], $0xffff;
	v49 =	vand.u32 $0x3000, v30  }
0x114: {  	v48 =	vld.idx.msk [tilespmem:v37+s10+$0x0], $0xffff;
	v50 =	vsel vm0, $0x100, v4;
	vm0 =	vlt.f32 v33, v62;
	v25 =	vor.u32 $0xF0, v19  }
0x115: {  	v33 =	vsel vm0, $0x100, v4;
	vm0 =	vlt.f32 v29, v13;
	v21 =	vor.u32 v50, v21  }
0x116: {  	v53 =	vor.u32 v1, v49;
	vm1 =	vlt.f32 v31, v15;
	v29 =	vsel vm0, $0x100, v4  }
0x117: {  	v31 =	vsel vm1, $0x80, v4;
	v27 =	vor.u32 v29, v27;
	v29 =	vand.u32 $0xFFFFFF80, v21  }
0x118: {  	v22 =	vor.u32 v31, v22;
	v29 =	vor.u32 v5, v29;
	v26 =	vsub.f32 v59, v26  }
0x119: {  	v20 =	vor.u32 v33, v20;
	v32 =	vsub.f32 v58, v48;
	v31 =	vadd.s32 $0x30, v22;
	v25 =	vld.idx.msk [tilespmem:v25+s10+$0x0], $0xffff  }
0x11a: {  	v33 =	vand.u32 $0xFFFFFF80, v20;
	v51 =	vand.u32 $0xFFFFFF80, v27;
	vm0 =	vgt.f32 v26, v18  }
0x11b: {  	v33 =	vor.u32 v5, v33;
	v52 =	vsel vm0, $0x1000, v4;
	vm0 =	vgt.f32 v32, v17  }
0x11c: {  	v26 =	vor.u32 v5, v51;
	v32 =	vld.idx.msk [tilespmem:v53+s10+$0x0], $0xffff;
	v34 =	vor.u32 v52, v44;
	v54 =	vsel vm0, $0x1000, v4  }
0x11d: {  	v29 =	vld.idx.msk [tilespmem:v29+s10+$0x0], $0xffff;
	v37 =	vand.u32 $0x3000, v34;
	v35 =	vor.u32 v54, v45  }
0x11e: {  	v31 =	vld.idx.msk [tilespmem:v31+s10+$0x0], $0xffff;
	v25 =	vsub.f32 v24, v25;
	v55 =	vor.u32 v1, v37;
	v56 =	vand.u32 $0x3000, v35  }
0x11f: {  	v37 =	vor.u32 v1, v56  }
0x120: {  	v33 =	vld.idx.msk [tilespmem:v33+s10+$0x0], $0xffff;
	vm0 =	vgt.f32 v25, v28  }
0x121: {  	v25 =	vld.idx.msk [tilespmem:v26+s10+$0x0], $0xffff;
	v26 =	vsel vm0, $0x100, v4  }
0x122: {  	v32 =	vsub.f32 v11, v32;
	v19 =	vor.u32 v26, v19  }
0x123: {  	vm1 =	vlt.f32 v29, v8;
	vm0 =	vlt.f32 v31, v15;
	v26 =	vand.u32 $0xFFFFFF80, v19;
	v29 =	vld.idx.msk [tilespmem:v55+s10+$0x0], $0xffff  }
0x124: {  	v57 =	vsel vm1, $0x80, v4;
	v31 =	vsel vm0, $0x40, v4;
	v26 =	vor.u32 v5, v26;
	v37 =	vld.idx.msk [tilespmem:v37+s10+$0x0], $0xffff  }
0x125: {  	vm0 =	vlt.f32 v33, v62;
	v21 =	vor.u32 v57, v21;
	v22 =	vadd.s32 v31, v22  }
0x126: {  	v31 =	vsel vm0, $0x80, v4;
	vm1 =	vlt.f32 v25, v13;
	v25 =	vadd.s32 $0x10, v22  }
0x127: {  	vm0 =	vgt.f32 v32, v60;
	v20 =	vor.u32 v31, v20;
	v31 =	vadd.s32 $0x30, v21  }
0x128: {  	v43 =	vsel vm0, $0x800, v4;
	v40 =	vsel vm1, $0x80, v4;
	v29 =	vsub.f32 v59, v29  }
0x129: {  	v41 =	vadd.s32 $0x30, v20;
	v27 =	vor.u32 v40, v27;
	v26 =	vld.idx.msk [tilespmem:v26+s10+$0x0], $0xffff;
	v42 =	vsub.f32 v58, v37  }
0x12a: {  	v44 =	vadd.s32 $0x30, v27;
	vm0 =	vgt.f32 v29, v18;
	v29 =	vor.u32 v43, v30  }
0x12b: {  	v25 =	vld.idx.msk [tilespmem:v25+s10+$0x0], $0xffff;
	v30 =	vsel vm0, $0x800, v4;
	vm0 =	vgt.f32 v42, v17;
	v45 =	vand.u32 $0x3800, v29  }
0x12c: {  	v30 =	vor.u32 v30, v34;
	v46 =	vsel vm0, $0x800, v4;
	v33 =	vor.u32 v3, v45  }
0x12d: {  	v47 =	vand.u32 $0x3800, v30;
	v34 =	vor.u32 v46, v35  }
0x12e: {  	v31 =	vld.idx.msk [tilespmem:v31+s10+$0x0], $0xffff;
	v26 =	vsub.f32 v24, v26;
	v48 =	vor.u32 v3, v47;
	v49 =	vand.u32 $0x3800, v34  }
0x12f: {  	v32 =	vld.idx.msk [tilespmem:v41+s10+$0x0], $0xffff;
	v36 =	vor.u32 v3, v49  }
0x130: {  	vm0 =	vlt.f32 v25, v15;
	v25 =	vld.idx.msk [tilespmem:v44+s10+$0x0], $0xffff;
	vm1 =	vgt.f32 v26, v28  }
0x131: {  	v26 =	vsel vm0, $0x20, v4;
	v50 =	vsel vm1, $0x80, v4;
	v33 =	vld.idx.msk [tilespmem:v33+s10+$0x0], $0xffff  }
0x132: {  	v22 =	vadd.s32 v26, v22;
	v19 =	vor.u32 v50, v19  }
0x133: {  	vm0 =	vlt.f32 v31, v8;
	v26 =	vadd.s32 $0x30, v19;
	v35 =	vld.idx.msk [tilespmem:v48+s10+$0x0], $0xffff  }
0x134: {  	v51 =	vsel vm0, $0x40, v4;
	v31 =	vld.idx.msk [tilespmem:v36+s10+$0x0], $0xffff  }
0x135: {  	vm1 =	vlt.f32 v32, v62;
	v21 =	vadd.s32 v51, v21  }
0x136: {  	vm0 =	vlt.f32 v25, v13;
	v25 =	vsel vm1, $0x40, v4;
	v33 =	vsub.f32 v11, v33  }
0x137: {  	v54 =	vadd.s32 $0x10, v21;
	v53 =	vsel vm0, $0x40, v4;
	v20 =	vadd.s32 v25, v20;
	v52 =	vld.idx.msk [tilespmem:v22+s10+$0x0], $0xffff  }
0x138: {  	v25 =	vld.idx.msk [tilespmem:v26+s10+$0x0], $0xffff;
	v26 =	vadd.s32 v53, v27;
	v27 =	vsub.f32 v59, v35;
	vm0 =	vgt.f32 v33, v60  }
0x139: {  	v55 =	vadd.s32 $0x10, v20;
	v31 =	vsub.f32 v58, v31;
	v56 =	vsel vm0, $0x400, v4  }
0x13a: {  	v36 =	vadd.s32 $0x10, v26;
	vm0 =	vgt.f32 v27, v18;
	v29 =	vor.u32 v56, v29  }
0x13b: {  	v27 =	vsel vm0, $0x400, v4;
	vm0 =	vgt.f32 v31, v17;
	v31 =	vor.u32 $0x1F0, v29  }
0x13c: {  	vm1 =	vlt.f32 v52, v15;
	v57 =	vor.u32 v27, v30;
	v27 =	vsel vm0, $0x400, v4  }
0x13d: {  	v37 =	vld.idx.msk [tilespmem:v54+s10+$0x0], $0xffff;
	v32 =	vsel vm1, $0x10, v4;
	v25 =	vsub.f32 v24, v25;
	v30 =	vor.u32 $0x1F0, v57  }
0x13e: {  	v34 =	vor.u32 v27, v34;
	v47 =	vadd.s32 v32, v22;
	v22 =	vld.idx.msk [tilespmem:v55+s10+$0x0], $0xffff  }
0x13f: {  	v48 =	vld.idx.msk [tilespmem:v36+s10+$0x0], $0xffff;
	vm0 =	vgt.f32 v25, v28;
	v25 =	vor.u32 $0x1F0, v34  }
0x140: {  	v27 =	vsel vm0, $0x40, v4  }
0x141: {  	v49 =	vadd.s32 v27, v19;
	v19 =	vld.idx.msk [tilespmem:v31+s10+$0x0], $0xffff  }
0x142: {  	vm0 =	vlt.f32 v37, v8;
	v27 =	vadd.s32 $0x10, v49;
	v50 =	vld.idx.msk [tilespmem:v30+s10+$0x0], $0xffff  }
0x143: {  	v52 =	vsel vm0, $0x20, v4;
	v51 =	vld.idx.msk [tilespmem:v47+s10+$0x0], $0xffff;
	vm0 =	vlt.f32 v22, v62  }
0x144: {  	v40 =	vadd.s32 v52, v21;
	v21 =	vsel vm0, $0x20, v4;
	vm0 =	vlt.f32 v48, v13;
	v25 =	vld.idx.msk [tilespmem:v25+s10+$0x0], $0xffff  }
0x145: {  	s14 =	simm.s32 $0x44A0;
	v6 =	vld.idx.msk [tilespmem:v7+s10+$0x0], $0xffff;
	v22 =	vsel vm0, $0x20, v4  }
0x146: {  	v39 =	vadd.s32 v22, v26;
	v22 =	vld [tilespmem:s14+$0x10];
	v19 =	vsub.f32 v11, v19  }
0x147: {  	v32 =	vsub.f32 v13, v23;
	v41 =	vadd.s32 v21, v20;
	v53 =	vld.idx.msk [tilespmem:v27+s10+$0x0], $0xffff;
	v20 =	vsub.f32 v59, v50  }
0x148: {  	v31 =	vsub.f32 v62, v23;
	vm1 =	vlt.f32 v51, v15;
	vm0 =	vgt.f32 v19, v60  }
0x149: {  	v19 =	vsub.f32 v58, v25;
	vm2 =	vgt.f32 v20, v18;
	v20 =	vsel vm1, $0x10, v4  }
0x14a: {  	v21 =	vsel vm0, $0x200, v4;
	v26 =	vsel vm2, $0x200, v4;
	v38 =	vadd.s32 v20, v47  }
0x14b: {  	v20 =	vld [tilespmem:s14+$0xFFFFFFF0];
	v25 =	vor.u32 v21, v29;
	vm2 =	vlt.f32 v6, v22;
	vm0 =	vgt.f32 v19, v17  }
0x14c: {  	v21 =	vld [tilespmem:s14+$0xFFFFFFE0];
	v42 =	vadd.s32 $0xFFFFFFF0, v38;
	v29 =	vmin.u32 v38, v63;
	v33 =	vsub.f32 v24, v53  }
0x14d: {  	v54 =	vld.idx.msk [tilespmem:v40+s10+$0x0], $0xffff;
	v43 =	vor.u32 $0xF0, v25;
	v44 =	vsel vm2, v2, v0;
	vm1 =	vgt.s32 v42, v0  }
0x14e: {  	v19 =	vld [tilespmem:s14+$0x0];
	v47 =	vand.u32 $0x2000, v44;
	v42 =	vsel vm1, v42, v0;
	vm1 =	vgt.f32 v33, v28  }
0x14f: {  	v46 =	vld.idx.msk [tilespmem:v41+s10+$0x0], $0xffff;
	v45 =	vsel vm0, $0x200, v4;
	v55 =	vor.u32 v61, v47;
	v33 =	vsel vm1, $0x20, v4  }
0x150: {  	vm1 =	vlt.f32 v6, v20;
	v36 =	vadd.s32 v33, v49;
	v33 =	vor.u32 v45, v34;
	v34 =	vld.idx.msk [tilespmem:v39+s10+$0x0], $0xffff  }
0x151: {  	v26 =	vor.u32 v26, v57;
	vm2 =	vlt.f32 v6, v21;
	v29 =	vld.idx.msk [tilespmem:v29+s10+$0x0], $0xffff;
	v37 =	vsel vm1, v2, v0  }
0x152: {  	vm0 =	vlt.f32 v54, v8;
	v45 =	vsel vm2, v2, v0;
	v43 =	vld.idx.msk [tilespmem:v43+s10+$0x0], $0xffff;
	v56 =	vand.u32 $0x2000, v37  }
0x153: {  	vm3 =	vlt.f32 v6, v19;
	v49 =	vand.u32 $0x2000, v45;
	v42 =	vld.idx.msk [tilespmem:v42+s10+$0x0], $0xffff;
	v47 =	vor.u32 v61, v56  }
0x154: {  	v57 =	vsel vm0, $0x10, v4;
	v48 =	vsel vm3, v2, v0;
	v49 =	vor.u32 v61, v49;
	v35 =	vld.idx.msk [tilespmem:v55+s10+$0x0], $0xffff  }
0x155: {  	v30 =	vsub.f32 v8, v23;
	v40 =	vadd.s32 v57, v40;
	v50 =	vand.u32 $0x2000, v48;
	v51 =	vld.idx.msk [tilespmem:v36+s10+$0x0], $0xffff  }
0x156: {  	v57 =	vsub.f32 v15, v23;
	vm1 =	vlt.f32 v46, v62;
	v50 =	vor.u32 v61, v50  }
0x157: {  	v46 =	vor.u32 $0xF0, v26;
	v52 =	vsel vm1, $0x10, v4;
	vm1 =	vlt.u32 v38, $0x4000  }
0x158: {  	vm0 =	vlt.f32 v34, v13;
	v29 =	vsub.f32 v29, v15;
	v42 =	vsub.f32 v15, v42;
	v47 =	vld.idx.msk [tilespmem:v47+s10+$0x0], $0xffff  }
0x159: {  	v41 =	vadd.s32 v52, v41;
	v43 =	vsub.f32 v11, v43;
	v34 =	vsel vm0, $0x10, v4;
	v49 =	vld.idx.msk [tilespmem:v49+s10+$0x0], $0xffff  }
0x15a: {  	vm2 =	vlt.f32 v35, v22;
	vm0 =	vgt.f32 v42, v29;
	v55 =	vsub.f32 v24, v51  }
0x15b: {  	v39 =	vadd.s32 v34, v39;
	v56 =	vld.idx.msk [tilespmem:v50+s10+$0x0], $0xffff;
	v53 =	vsel vm2, $0x1000, v4;
	vm0 =	vmand vm0, vm1  }
0x15c: {  	v23 =	vsel vm0, v29, v42;
	v29 =	vor.u32 v44, v53;
	vm0 =	vgt.f32 v55, v28  }
0x15d: {  	vm1 =	vgt.f32 v57, v23;
	v54 =	vand.u32 $0x3000, v29;
	v34 =	vsel vm0, $0x10, v4  }
0x15e: {  	v38 =	vld.idx.msk [tilespmem:v41+s10+$0x0], $0xffff;
	v44 =	vsel vm1, v2, v0;
	vm0 =	vlt.f32 v49, v21;
	vm1 =	vlt.f32 v47, v20  }
0x15f: {  	v42 =	vld.idx.msk [tilespmem:v40+s10+$0x0], $0xffff;
	v34 =	vadd.s32 v34, v36;
	v36 =	vor.u32 v1, v54;
	v55 =	vand.u32 $0x2000, v44  }
0x160: {  	v47 =	vld.idx.msk [tilespmem:v39+s10+$0x0], $0xffff;
	vm2 =	vlt.f32 v56, v19;
	v57 =	vsel vm0, $0x1000, v4;
	v56 =	vor.u32 v61, v55  }
0x161: {  	v52 =	vor.u32 $0xF0, v33;
	v54 =	vsel vm1, $0x1000, v4;
	v45 =	vor.u32 v45, v57  }
0x162: {  	vm3 =	vgt.f32 v43, v60;
	v37 =	vor.u32 v37, v54;
	v49 =	vand.u32 $0x3000, v45  }
0x163: {  	v55 =	vsel vm2, $0x1000, v4;
	v50 =	vand.u32 $0x3000, v37;
	v49 =	vor.u32 v1, v49  }
0x164: {  	vm1 =	vlt.f32 v38, v62;
	v48 =	vor.u32 v48, v55;
	v50 =	vor.u32 v1, v50;
	v36 =	vld.idx.msk [tilespmem:v36+s10+$0x0], $0xffff  }
0x165: {  	vm0 =	vlt.f32 v42, v8;
	v51 =	vand.u32 $0x3000, v48;
	vm2 =	vlt.f32 v47, v13;
	v35 =	vld.idx.msk [tilespmem:v56+s10+$0x0], $0xffff  }
0x166: {  	v51 =	vor.u32 v1, v51;
	v42 =	vld.idx.msk [tilespmem:v34+s10+$0x0], $0xffff;
	v53 =	vsel vm2, $0x10, v4;
	v56 =	vsel vm0, $0x10, v4  }
0x167: {  	v57 =	vsel vm1, $0x10, v4;
	v39 =	vadd.s32 v53, v39;
	v38 =	vadd.s32 v56, v40  }
0x168: {  	v40 =	vadd.s32 v57, v41;
	v53 =	vadd.s32 $0xFFFFFFF0, v39;
	v41 =	vadd.s32 $0xFFFFFFF0, v38;
	v49 =	vld.idx.msk [tilespmem:v49+s10+$0x0], $0xffff  }
0x169: {  	v47 =	vadd.s32 $0xFFFFFFF0, v40;
	v56 =	vld.idx.msk [tilespmem:v50+s10+$0x0], $0xffff;
	vm1 =	vgt.s32 v41, v0;
	vm0 =	vlt.f32 v36, v22  }
0x16a: {  	v41 =	vsel vm1, v41, v0;
	v57 =	vsel vm0, $0x800, v4;
	v35 =	vsub.f32 v15, v35  }
0x16b: {  	vm2 =	vgt.s32 v47, v0;
	v51 =	vld.idx.msk [tilespmem:v51+s10+$0x0], $0xffff;
	v50 =	vor.u32 v57, v29;
	v29 =	vsub.f32 v24, v42  }
0x16c: {  	v24 =	vsel vm2, v47, v0;
	v47 =	vand.u32 $0x3800, v50;
	vm1 =	vgt.f32 v35, v23  }
0x16d: {  	vm0 =	vgt.s32 v53, v0;
	v35 =	vor.u32 v3, v47;
	v54 =	vsel vm1, $0x1000, v4  }
0x16e: {  	v46 =	vld.idx.msk [tilespmem:v46+s10+$0x0], $0xffff;
	vm1 =	vlt.f32 v49, v21;
	v47 =	vsel vm0, v53, v0;
	vm0 =	vlt.f32 v56, v20  }
0x16f: {  	v53 =	vmin.u32 v38, v63;
	v42 =	vor.u32 v54, v44;
	v55 =	vsel vm1, $0x800, v4;
	v36 =	vld.idx.msk [tilespmem:v41+s10+$0x0], $0xffff  }
0x170: {  	v57 =	vsel vm0, $0x800, v4;
	vm0 =	vlt.f32 v51, v19;
	v51 =	vld.idx.msk [tilespmem:v52+s10+$0x0], $0xffff;
	v56 =	vand.u32 $0x3000, v42  }
0x171: {  	v44 =	vor.u32 v55, v45;
	v54 =	vsel vm0, $0x800, v4;
	v24 =	vld.idx.msk [tilespmem:v24+s10+$0x0], $0xffff;
	v41 =	vor.u32 v1, v56  }
0x172: {  	vm0 =	vlt.u32 v38, $0x4000;
	v38 =	vmin.u32 v39, v63;
	v55 =	vand.u32 $0x3800, v44;
	v35 =	vld.idx.msk [tilespmem:v35+s10+$0x0], $0xffff  }
0x173: {  	vm2 =	vlt.u32 v40, $0x4000;
	v37 =	vor.u32 v57, v37;
	v49 =	vor.u32 v3, v55;
	v47 =	vld.idx.msk [tilespmem:v47+s10+$0x0], $0xffff  }
0x174: {  	vm1 =	vlt.u32 v39, $0x4000;
	v45 =	vor.u32 v54, v48;
	v56 =	vand.u32 $0x3800, v37  }
0x175: {  	v54 =	vmin.u32 v40, v63;
	v57 =	vand.u32 $0x3800, v45;
	v48 =	vor.u32 v3, v56  }
0x176: {  	v55 =	vsub.f32 v59, v46;
	v52 =	vor.u32 v3, v57;
	v36 =	vsub.f32 v8, v36;
	v41 =	vld.idx.msk [tilespmem:v41+s10+$0x0], $0xffff  }
0x177: {  	v56 =	vsub.f32 v58, v51;
	v38 =	vld.idx.msk [tilespmem:v38+s10+$0x0], $0xffff;
	v24 =	vsub.f32 v62, v24;
	vm12 =	vlt.f32 v35, v22  }
0x178: {  	v57 =	vld.idx.msk [tilespmem:v49+s10+$0x0], $0xffff;
	v35 =	vsel vm3, $0x100, v4;
	v47 =	vsub.f32 v13, v47;
	vm3 =	vgt.f32 v55, v18  }
0x179: {  	v51 =	vsel vm12, $0x400, v4;
	v55 =	vsel vm3, $0x100, v4;
	vm3 =	vgt.f32 v56, v17  }
0x17a: {  	v39 =	vld.idx.msk [tilespmem:v48+s10+$0x0], $0xffff;
	v35 =	vor.u32 v35, v25;
	v46 =	vor.u32 v51, v50;
	v56 =	vsel vm3, $0x100, v4  }
0x17b: {  	v48 =	vor.u32 v55, v26;
	v49 =	vor.u32 $0x1F0, v46;
	v41 =	vsub.f32 v15, v41  }
0x17c: {  	v40 =	vld.idx.msk [tilespmem:v52+s10+$0x0], $0xffff;
	v26 =	vand.u32 $0xFFFFFF80, v35;
	v38 =	vsub.f32 v38, v13;
	v33 =	vor.u32 v56, v33  }
0x17d: {  	v25 =	vld.idx.msk [tilespmem:v53+s10+$0x0], $0xffff;
	v53 =	vor.u32 v5, v26;
	vm13 =	vlt.f32 v57, v21;
	vm3 =	vgt.f32 v41, v23  }
0x17e: {  	v51 =	vand.u32 $0xFFFFFF80, v33;
	v56 =	vsel vm13, $0x400, v4;
	v57 =	vsel vm3, $0x800, v4  }
0x17f: {  	v50 =	vld.idx.msk [tilespmem:v54+s10+$0x0], $0xffff;
	vm3 =	vlt.f32 v39, v20;
	v44 =	vor.u32 v56, v44;
	v39 =	vor.u32 v57, v42  }
0x180: {  	v57 =	vsel vm3, $0x400, v4;
	v52 =	vor.u32 $0x1F0, v44;
	v55 =	vand.u32 $0x3800, v39;
	v43 =	vld.idx.msk [tilespmem:v49+s10+$0x0], $0xffff  }
0x181: {  	vm3 =	vlt.f32 v40, v19;
	v37 =	vor.u32 v57, v37;
	v40 =	vor.u32 v3, v55  }
0x182: {  	vm6 =	vgt.f32 v47, v38;
	v56 =	vsel vm3, $0x400, v4;
	v57 =	vor.u32 $0x1F0, v37  }
0x183: {  	v41 =	vand.u32 $0xFFFFFF80, v48;
	v25 =	vsub.f32 v25, v8;
	v42 =	vor.u32 v56, v45  }
0x184: {  	v51 =	vor.u32 v5, v51;
	v50 =	vsub.f32 v50, v62;
	v49 =	vor.u32 $0x1F0, v42  }
0x185: {  	v41 =	vor.u32 v5, v41;
	vm3 =	vgt.f32 v36, v25;
	v55 =	vld.idx.msk [tilespmem:v52+s10+$0x0], $0xffff;
	vm14 =	vlt.f32 v43, v22  }
0x186: {  	vm15 =	vgt.f32 v24, v50;
	vm0 =	vmand vm3, vm0;
	v40 =	vld.idx.msk [tilespmem:v40+s10+$0x0], $0xffff;
	v26 =	vsel vm14, $0x200, v4  }
0x187: {  	vm2 =	vmand vm15, vm2;
	v56 =	vld.idx.msk [tilespmem:v57+s10+$0x0], $0xffff;
	v46 =	vor.u32 v26, v46;
	v26 =	vsel vm0, v25, v36  }
0x188: {  	vm0 =	vmand vm6, vm1;
	v25 =	vsel vm2, v50, v24;
	v57 =	vor.u32 $0xF0, v46  }
0x189: {  	v24 =	vsel vm0, v38, v47;
	v38 =	vld.idx.msk [tilespmem:v49+s10+$0x0], $0xffff;
	vm0 =	vgt.f32 v30, v26;
	vm1 =	vgt.f32 v31, v25  }
0x18a: {  	vm2 =	vgt.f32 v32, v24;
	v30 =	vsel vm0, v2, v0;
	vm0 =	vlt.f32 v55, v21  }
0x18b: {  	v41 =	vld.idx.msk [tilespmem:v41+s10+$0x0], $0xffff;
	v31 =	vsel vm1, v2, v0;
	v47 =	vsel vm2, v2, v0;
	v54 =	vsel vm0, $0x200, v4  }
0x18c: {  	v52 =	vsub.f32 v15, v40;
	v40 =	vld.idx.msk [tilespmem:v53+s10+$0x0], $0xffff;
	v53 =	vand.u32 $0x2000, v30;
	vm0 =	vlt.f32 v56, v20  }
0x18d: {  	v56 =	vld.idx.msk [tilespmem:v51+s10+$0x0], $0xffff;
	v32 =	vor.u32 v54, v44;
	v45 =	vand.u32 $0x2000, v47;
	v43 =	vor.u32 v61, v53  }
0x18e: {  	vm1 =	vgt.f32 v52, v23;
	v36 =	vld.idx.msk [tilespmem:v57+s10+$0x0], $0xffff;
	v57 =	vsel vm0, $0x200, v4;
	vm0 =	vlt.f32 v38, v19  }
0x18f: {  	v45 =	vor.u32 v61, v45;
	v55 =	vsel vm1, $0x400, v4;
	v54 =	vsel vm0, $0x200, v4  }
0x190: {  	v38 =	vor.u32 v55, v39;
	v39 =	vor.u32 v54, v42;
	v42 =	vor.u32 $0xF0, v32  }
0x191: {  	v37 =	vor.u32 v57, v37;
	v44 =	vor.u32 $0x1F0, v38  }
0x192: {  	v50 =	vand.u32 $0x2000, v31;
	v51 =	vor.u32 $0xF0, v37;
	v55 =	vsub.f32 v59, v41  }
0x193: {  	v50 =	vor.u32 v61, v50;
	v52 =	vor.u32 $0xF0, v39;
	v56 =	vsub.f32 v58, v56;
	v43 =	vld.idx.msk [tilespmem:v43+s10+$0x0], $0xffff  }
0x194: {  	v40 =	vsub.f32 v11, v40;
	vm1 =	vgt.f32 v55, v18;
	v45 =	vld.idx.msk [tilespmem:v45+s10+$0x0], $0xffff;
	vm0 =	vlt.f32 v36, v22  }
0x195: {  	vm2 =	vgt.f32 v56, v17;
	v55 =	vsel vm1, $0x80, v4;
	v57 =	vsel vm0, $0x100, v4;
	v36 =	vld.idx.msk [tilespmem:v42+s10+$0x0], $0xffff  }
0x196: {  	vm0 =	vgt.f32 v40, v60;
	v56 =	vsel vm2, $0x80, v4;
	v48 =	vor.u32 v55, v48;
	v44 =	vld.idx.msk [tilespmem:v44+s10+$0x0], $0xffff  }
0x197: {  	v40 =	vor.u32 v57, v46;
	v54 =	vsel vm0, $0x80, v4;
	v46 =	vld.idx.msk [tilespmem:v51+s10+$0x0], $0xffff;
	v33 =	vor.u32 v56, v33  }
0x198: {  	v49 =	vadd.s32 $0x30, v48;
	v53 =	vand.u32 $0xFFFFFF80, v40;
	v42 =	vld.idx.msk [tilespmem:v52+s10+$0x0], $0xffff;
	v43 =	vsub.f32 v8, v43  }
0x199: {  	v35 =	vor.u32 v54, v35;
	v52 =	vadd.s32 $0x30, v33;
	v41 =	vor.u32 v5, v53  }
0x19a: {  	v45 =	vsub.f32 v13, v45;
	vm0 =	vgt.f32 v43, v26;
	v43 =	vadd.s32 $0x30, v35  }
0x19b: {  	v57 =	vsel vm0, $0x1000, v4;
	vm0 =	vlt.f32 v36, v21;
	v44 =	vsub.f32 v15, v44  }
0x19c: {  	vm1 =	vlt.f32 v46, v20;
	v30 =	vor.u32 v57, v30;
	v55 =	vsel vm0, $0x100, v4  }
0x19d: {  	v46 =	vld.idx.msk [tilespmem:v50+s10+$0x0], $0xffff;
	v56 =	vsel vm1, $0x100, v4;
	vm1 =	vlt.f32 v42, v19;
	vm0 =	vgt.f32 v44, v23  }
0x19e: {  	v36 =	vld.idx.msk [tilespmem:v41+s10+$0x0], $0xffff;
	v41 =	vand.u32 $0x3000, v30;
	v32 =	vor.u32 v55, v32;
	v57 =	vsel vm0, $0x200, v4  }
0x19f: {  	v53 =	vsel vm1, $0x100, v4;
	v37 =	vor.u32 v56, v37;
	v38 =	vor.u32 v57, v38  }
0x1a0: {  	vm1 =	vgt.f32 v45, v24;
	v39 =	vor.u32 v53, v39;
	v42 =	vld.idx.msk [tilespmem:v43+s10+$0x0], $0xffff;
	v43 =	vor.u32 $0xF0, v38  }
0x1a1: {  	v54 =	vand.u32 $0xFFFFFF80, v32;
	v55 =	vand.u32 $0xFFFFFF80, v37;
	v41 =	vor.u32 v1, v41  }
0x1a2: {  	v49 =	vld.idx.msk [tilespmem:v49+s10+$0x0], $0xffff;
	v53 =	vsel vm1, $0x1000, v4;
	v44 =	vor.u32 v5, v54;
	v46 =	vsub.f32 v62, v46  }
0x1a3: {  	v56 =	vand.u32 $0xFFFFFF80, v39;
	v50 =	vor.u32 v5, v55;
	vm0 =	vlt.f32 v36, v22;
	v36 =	vld.idx.msk [tilespmem:v52+s10+$0x0], $0xffff  }
0x1a4: {  	v45 =	vor.u32 v53, v47;
	v57 =	vsel vm0, $0x80, v4;
	vm0 =	vgt.f32 v46, v25  }
0x1a5: {  	v51 =	vor.u32 v5, v56;
	v40 =	vor.u32 v57, v40;
	v56 =	vsel vm0, $0x1000, v4;
	v43 =	vld.idx.msk [tilespmem:v43+s10+$0x0], $0xffff  }
0x1a6: {  	v42 =	vsub.f32 v11, v42;
	v52 =	vadd.s32 $0x30, v40;
	v31 =	vor.u32 v56, v31  }
0x1a7: {  	v55 =	vand.u32 $0x3000, v45;
	v57 =	vsub.f32 v59, v49;
	v44 =	vld.idx.msk [tilespmem:v44+s10+$0x0], $0xffff;
	v54 =	vand.u32 $0x3000, v31  }
0x1a8: {  	v49 =	vld.idx.msk [tilespmem:v50+s10+$0x0], $0xffff;
	vm0 =	vgt.f32 v42, v60;
	v36 =	vsub.f32 v58, v36;
	v47 =	vor.u32 v1, v54  }
0x1a9: {  	vm1 =	vgt.f32 v57, v18;
	v42 =	vor.u32 v1, v55;
	v50 =	vsel vm0, $0x40, v4  }
0x1aa: {  	v46 =	vld.idx.msk [tilespmem:v51+s10+$0x0], $0xffff;
	v56 =	vsel vm1, $0x40, v4;
	vm0 =	vgt.f32 v36, v17;
	v36 =	vsub.f32 v15, v43  }
0x1ab: {  	v35 =	vadd.s32 v50, v35;
	v48 =	vadd.s32 v56, v48;
	v57 =	vsel vm0, $0x40, v4;
	v43 =	vld.idx.msk [tilespmem:v52+s10+$0x0], $0xffff  }
0x1ac: {  	vm1 =	vlt.f32 v44, v21;
	v33 =	vadd.s32 v57, v33;
	vm0 =	vgt.f32 v36, v23  }
0x1ad: {  	v57 =	vsel vm1, $0x80, v4;
	v47 =	vld.idx.msk [tilespmem:v47+s10+$0x0], $0xffff;
	v56 =	vsel vm0, $0x100, v4;
	vm0 =	vlt.f32 v49, v20  }
0x1ae: {  	v36 =	vld.idx.msk [tilespmem:v41+s10+$0x0], $0xffff;
	v41 =	vadd.s32 $0x10, v35;
	v38 =	vor.u32 v56, v38;
	v52 =	vsel vm0, $0x80, v4  }
0x1af: {  	v42 =	vld.idx.msk [tilespmem:v42+s10+$0x0], $0xffff;
	vm0 =	vlt.f32 v46, v19;
	v46 =	vor.u32 v57, v32;
	v53 =	vand.u32 $0xFFFFFF80, v38  }
0x1b0: {  	v54 =	vsel vm0, $0x80, v4;
	vm0 =	vlt.f32 v43, v22;
	v55 =	vor.u32 v5, v53  }
0x1b1: {  	v37 =	vor.u32 v52, v37;
	v32 =	vadd.s32 $0x30, v46;
	v56 =	vsel vm0, $0x40, v4  }
0x1b2: {  	v9 =	vsub.f32 v20, v6;
	v49 =	vadd.s32 $0x30, v37;
	v40 =	vadd.s32 v56, v40  }
0x1b3: {  	v47 =	vsub.f32 v62, v47;
	v36 =	vsub.f32 v8, v36;
	v44 =	vadd.s32 $0x10, v40  }
0x1b4: {  	v51 =	vadd.s32 $0x10, v48;
	v42 =	vsub.f32 v13, v42;
	v39 =	vor.u32 v54, v39;
	v41 =	vld.idx.msk [tilespmem:v41+s10+$0x0], $0xffff  }
0x1b5: {  	v50 =	vadd.s32 $0x30, v39;
	vm1 =	vgt.f32 v47, v25;
	vm0 =	vgt.f32 v36, v26;
	v36 =	vld.idx.msk [tilespmem:v55+s10+$0x0], $0xffff  }
0x1b6: {  	v43 =	vadd.s32 $0x10, v33;
	v56 =	vsel vm1, $0x800, v4;
	v57 =	vsel vm0, $0x800, v4;
	v53 =	vld.idx.msk [tilespmem:v32+s10+$0x0], $0xffff  }
0x1b7: {  	vm0 =	vgt.f32 v42, v24;
	v42 =	vor.u32 v56, v31;
	v30 =	vor.u32 v57, v30;
	v49 =	vld.idx.msk [tilespmem:v49+s10+$0x0], $0xffff  }
0x1b8: {  	v31 =	vsel vm0, $0x800, v4;
	v52 =	vand.u32 $0x3800, v42;
	v47 =	vand.u32 $0x3800, v30;
	v44 =	vld.idx.msk [tilespmem:v44+s10+$0x0], $0xffff  }
0x1b9: {  	v45 =	vor.u32 v31, v45;
	v52 =	vor.u32 v3, v52;
	v47 =	vor.u32 v3, v47;
	[tilespmem:$0x1FFE0] =	vst v9  }
0x1ba: {  	v41 =	vsub.f32 v11, v41;
	v57 =	vand.u32 $0x3800, v45;
	v50 =	vld.idx.msk [tilespmem:v50+s10+$0x0], $0xffff;
	v36 =	vsub.f32 v15, v36  }
0x1bb: {  	vm0 =	vgt.f32 v29, v28;
	v54 =	vor.u32 v3, v57;
	v28 =	vld.idx.msk [tilespmem:v51+s10+$0x0], $0xffff  }
0x1bc: {  	v31 =	vsub.f32 v21, v6;
	vm1 =	vgt.f32 v41, v60;
	v29 =	vld.idx.msk [tilespmem:v43+s10+$0x0], $0xffff;
	vm2 =	vgt.f32 v36, v23  }
0x1bd: {  	vm3 =	vlt.f32 v44, v22;
	v36 =	vsel vm1, $0x20, v4;
	v55 =	vsel vm2, $0x80, v4  }
0x1be: {  	vm1 =	vlt.f32 v53, v21;
	v57 =	vld.idx.msk [tilespmem:v47+s10+$0x0], $0xffff;
	v56 =	vsel vm3, $0x20, v4;
	v38 =	vor.u32 v55, v38  }
0x1bf: {  	v32 =	vld.idx.msk [tilespmem:v52+s10+$0x0], $0xffff;
	vm2 =	vlt.f32 v49, v20;
	v53 =	vsel vm1, $0x40, v4;
	v41 =	vadd.s32 $0x30, v38  }
0x1c0: {  	vm1 =	vlt.f32 v50, v19;
	v49 =	vld.idx.msk [tilespmem:v54+s10+$0x0], $0xffff;
	v28 =	vsub.f32 v59, v28;
	v43 =	vadd.s32 v56, v40  }
0x1c1: {  	v44 =	vadd.s32 v36, v35;
	v29 =	vsub.f32 v58, v29;
	v55 =	vsel vm2, $0x40, v4  }
0x1c2: {  	v46 =	vadd.s32 v53, v46;
	v56 =	vsel vm1, $0x40, v4;
	v50 =	vadd.s32 v55, v37  }
0x1c3: {  	v37 =	vadd.s32 $0x10, v46;
	v51 =	vadd.s32 v56, v39;
	v57 =	vsub.f32 v8, v57  }
0x1c4: {  	vm1 =	vgt.f32 v28, v18;
	vm3 =	vgt.f32 v29, v17;
	v40 =	vsub.f32 v62, v32;
	v36 =	vld.idx.msk [tilespmem:v41+s10+$0x0], $0xffff  }
0x1c5: {  	v47 =	vadd.s32 $0x10, v50;
	v28 =	vsub.f32 v13, v49;
	v56 =	vld.idx.msk [tilespmem:v43+s10+$0x0], $0xffff;
	vm2 =	vgt.f32 v57, v26  }
0x1c6: {  	v52 =	vadd.s32 $0x10, v51;
	v29 =	vsel vm2, $0x400, v4;
	vm2 =	vgt.f32 v40, v25  }
0x1c7: {  	v39 =	vor.u32 v29, v30;
	v29 =	vsel vm2, $0x400, v4;
	vm2 =	vgt.f32 v28, v24  }
0x1c8: {  	v28 =	vld.idx.msk [tilespmem:v37+s10+$0x0], $0xffff;
	v57 =	vor.u32 $0x1F0, v39;
	v41 =	vor.u32 v29, v42;
	v29 =	vsel vm2, $0x400, v4  }
0x1c9: {  	v49 =	vld.idx.msk [tilespmem:v44+s10+$0x0], $0xffff;
	v54 =	vor.u32 $0x1F0, v41;
	v40 =	vor.u32 v29, v45;
	v29 =	vsub.f32 v15, v36  }
0x1ca: {  	v30 =	vsel vm1, $0x20, v4;
	v42 =	vld.idx.msk [tilespmem:v47+s10+$0x0], $0xffff;
	vm1 =	vlt.f32 v56, v22;
	v45 =	vor.u32 $0x1F0, v40  }
0x1cb: {  	v30 =	vadd.s32 v30, v48;
	v55 =	vsel vm1, $0x10, v4;
	vm1 =	vgt.f32 v29, v23  }
0x1cc: {  	v36 =	vld.idx.msk [tilespmem:v52+s10+$0x0], $0xffff;
	v37 =	vadd.s32 v55, v43;
	v29 =	vsel vm3, $0x20, v4;
	v56 =	vsel vm1, $0x40, v4  }
0x1cd: {  	v29 =	vadd.s32 v29, v33;
	vm1 =	vlt.f32 v28, v21;
	v28 =	vld.idx.msk [tilespmem:v57+s10+$0x0], $0xffff;
	v38 =	vadd.s32 v56, v38  }
0x1ce: {  	v55 =	vsub.f32 v11, v49;
	v52 =	vld.idx.msk [tilespmem:v54+s10+$0x0], $0xffff;
	v48 =	vsel vm1, $0x20, v4;
	v53 =	vadd.s32 $0x10, v38  }
0x1cf: {  	v12 =	vmovc v6;
	v57 =	vsel vm0, $0x10, v4;
	vm0 =	vlt.f32 v42, v20;
	v45 =	vld.idx.msk [tilespmem:v45+s10+$0x0], $0xffff;
	v47 =	vadd.s32 v48, v46  }
0x1d0: {  	v27 =	vmovc v5;
	v35 =	vld.idx.msk [tilespmem:v30+s10+$0x0], $0xffff;
	v33 =	vsub.f32 v19, v6;
	v34 =	vadd.s32 v57, v34;
	v56 =	vsel vm0, $0x20, v4  }
0x1d1: {  	v32 =	vmovc v8;
	vm0 =	vgt.f32 v55, v60;
	vm1 =	vlt.f32 v36, v19;
	v42 =	vshrl.u32 v34, $0x4;
	v34 =	vld.idx.msk [tilespmem:v37+s10+$0x0], $0xffff  }
0x1d2: {  	s16 =	simm.s32 $0x4C20;
	v6 =	vmovc v1;
	v49 =	vadd.s32 v56, v50;
	v46 =	vsel vm1, $0x20, v4;
	v36 =	vld.idx.msk [tilespmem:v29+s10+$0x0], $0xffff;
	v57 =	vsub.f32 v8, v28  }
0x1d3: {  	[tilespmem:s16+$0x10] =	vst v42;
	v48 =	vadd.s32 v46, v51;
	v28 =	vsel vm0, $0x10, v4;
	v43 =	vsub.f32 v62, v52;
	v42 =	vld.idx.msk [tilespmem:v53+s10+$0x0], $0xffff  }
0x1d4: {  	s17 =	simm.s32 $0x8;
	s15 =	simm.s32 $0x4C20;
	v14 =	vadd.s32 v28, v44;
	v44 =	vsub.f32 v13, v45;
	v50 =	vld.idx.msk [tilespmem:v47+s10+$0x0], $0xffff;
	vm0 =	vgt.f32 v57, v26  }
.LBB2_4:
0x1d5: {  	s14 =	sadd.s32 $0x40, s14;
	v45 =	vsel vm0, $0x200, v4;
	v28 =	vmovc v11;
	v11 =	vlaneseq.u32;
	vm0 =	vgt.f32 v43, v25  }
0x1d6: {  	v46 =	vld [tilespmem:s14+$0x10];
	v45 =	vor.u32 v45, v39;
	v43 =	vsel vm0, $0x200, v4;
	vm0 =	vgt.f32 v44, v24  }
0x1d7: {  	[tilespmem:$0x1FFC0] =	vst v60;
	v60 =	vor.u32 $0xF0, v45;
	v52 =	vsub.f32 v59, v35;
	v51 =	vld.idx.msk [tilespmem:v7+s10+$0x0], $0xffff;
	vm1 =	vlt.f32 v34, v22  }
0x1d8: {  	v54 =	vld.idx.msk [tilespmem:v48+s10+$0x0], $0xffff;
	v57 =	vsel vm0, $0x200, v4;
	v41 =	vor.u32 v43, v41;
	v56 =	vsel vm1, $0x10, v4  }
0x1d9: {  	v35 =	vld [tilespmem:s14+$0xFFFFFFF0];
	v40 =	vor.u32 v57, v40;
	v42 =	vsub.f32 v15, v42;
	v53 =	vadd.s32 v56, v37  }
0x1da: {  	[tilespmem:$0x1FFB0] =	vst v59;
	vm0 =	vlt.f32 v50, v21;
	v9 =	vor.u32 $0xF0, v41;
	v37 =	vld [tilespmem:s14+$0xFFFFFFE0];
	v59 =	vadd.s32 $0xFFFFFFF0, v53  }
0x1db: {  	v34 =	vld [tilespmem:s14+$0x0];
	v10 =	vor.u32 $0xF0, v40;
	v50 =	vmin.u32 v53, v63;
	vm1 =	vgt.s32 v59, v0  }
0x1dc: {  	v7 =	vmovc v58;
	vm2 =	vlt.f32 v51, v46;
	v55 =	vsel vm1, v59, v0;
	vm1 =	vgt.f32 v42, v23  }
0x1dd: {  	[tilespmem:$0x1FFD0] =	vst v14;
	v44 =	vld.idx.msk [tilespmem:v49+s10+$0x0], $0xffff;
	v36 =	vsub.f32 v7, v36;
	v56 =	vsel vm2, v2, v0;
	v42 =	vsel vm1, $0x20, v4  }
0x1de: {  	v5 =	vmovc v61;
	v39 =	vld.idx.msk [tilespmem:v14+s10+$0x0], $0xffff;
	vm3 =	vlt.f32 v51, v35;
	v57 =	vand.u32 $0x2000, v56;
	v58 =	vadd.s32 v42, v38  }
0x1df: {  	v9 =	vld.idx.msk [tilespmem:v9+s10+$0x0], $0xffff;
	v59 =	vsel vm3, v2, v0;
	vm2 =	vlt.f32 v51, v37;
	v38 =	vor.u32 v61, v57  }
0x1e0: {  	v14 =	vmovc v13;
	vm1 =	vlt.f32 v51, v34;
	v42 =	vand.u32 $0x2000, v59;
	v57 =	vld.idx.msk [tilespmem:v60+s10+$0x0], $0xffff;
	v60 =	vsel vm2, v2, v0  }
0x1e1: {  	v13 =	vmovc v62;
	v61 =	vsel vm1, v2, v0;
	v50 =	vld.idx.msk [tilespmem:v50+s10+$0x0], $0xffff;
	v42 =	vor.u32 v5, v42;
	v43 =	vand.u32 $0x2000, v60  }
0x1e2: {  	v0 =	vmovc v63;
	vm1 =	vlt.f32 v44, v20;
	v62 =	vand.u32 $0x2000, v61;
	v55 =	vld.idx.msk [tilespmem:v55+s10+$0x0], $0xffff;
	v63 =	vor.u32 v5, v43  }
0x1e3: {  	v44 =	vsel vm1, $0x10, v4;
	v43 =	vsel vm0, $0x10, v4;
	vm0 =	vlt.f32 v54, v19;
	v54 =	vld.idx.msk [tilespmem:v58+s10+$0x0], $0xffff  }
0x1e4: {  	vm1 =	vlt.u32 v53, $0x4000;
	v62 =	vor.u32 v5, v62;
	v49 =	vadd.s32 v44, v49;
	v1 =	vld.idx.msk [tilespmem:v38+s10+$0x0], $0xffff  }
0x1e5: {  	v44 =	vsub.f32 v35, v51;
	v9 =	vsub.f32 v13, v9;
	v8 =	vadd.s32 v43, v47  }
0x1e6: {  	v43 =	vsub.f32 v37, v51;
	v38 =	vsel vm0, $0x10, v4;
	v16 =	vld.idx.msk [tilespmem:v42+s10+$0x0], $0xffff;
	v42 =	vsub.f32 v34, v51  }
0x1e7: {  	v50 =	vsub.f32 v50, v22;
	vm0 =	vgt.f32 v52, v18;
	v63 =	vld.idx.msk [tilespmem:v63+s10+$0x0], $0xffff;
	v55 =	vsub.f32 v22, v55  }
0x1e8: {  	v47 =	vsub.f32 v32, v57;
	v48 =	vadd.s32 v38, v48;
	v38 =	vsel vm0, $0x10, v4  }
0x1e9: {  	v52 =	vld.idx.msk [tilespmem:v62+s10+$0x0], $0xffff;
	vm0 =	vgt.f32 v55, v50;
	v53 =	vsub.f32 v15, v54;
	vm2 =	vlt.f32 v1, v46  }
0x1ea: {  	v54 =	vsub.f32 v22, v12;
	v12 =	vmovc v51;
	vm0 =	vmand vm0, vm1;
	v51 =	vsel vm2, $0x1000, v4  }
0x1eb: {  	v57 =	vld.idx.msk [tilespmem:v8+s10+$0x0], $0xffff;
	v50 =	vsel vm0, v50, v55;
	vm0 =	vgt.f32 v53, v23;
	v51 =	vor.u32 v56, v51  }
0x1ec: {  	vm1 =	vgt.f32 v54, v50;
	v53 =	vsel vm0, $0x10, v4;
	vm0 =	vlt.f32 v63, v37  }
0x1ed: {  	v1 =	vld.idx.msk [tilespmem:v49+s10+$0x0], $0xffff;
	v54 =	vand.u32 $0x3000, v51;
	v55 =	vsel vm1, v2, v11;
	v53 =	vadd.s32 v53, v58  }
0x1ee: {  	v62 =	vld.idx.msk [tilespmem:v48+s10+$0x0], $0xffff;
	vm2 =	vlt.f32 v52, v34;
	v54 =	vor.u32 v6, v54;
	v63 =	vand.u32 $0x2000, v55  }
0x1ef: {  	vm1 =	vlt.f32 v16, v35;
	v52 =	vsel vm0, $0x1000, v4;
	v16 =	vor.u32 v5, v63  }
0x1f0: {  	vm0 =	vlt.f32 v57, v21;
	v56 =	vsel vm1, $0x1000, v4;
	v52 =	vor.u32 v60, v52  }
0x1f1: {  	v63 =	vsel vm2, $0x1000, v4;
	v56 =	vor.u32 v59, v56;
	v59 =	vand.u32 $0x3000, v52  }
0x1f2: {  	vm1 =	vlt.f32 v1, v20;
	v58 =	vor.u32 v61, v63;
	v60 =	vand.u32 $0x3000, v56;
	v63 =	vld.idx.msk [tilespmem:v53+s10+$0x0], $0xffff  }
0x1f3: {  	v59 =	vor.u32 v6, v59;
	vm2 =	vlt.f32 v62, v19;
	v57 =	vsel vm1, $0x10, v4;
	v54 =	vld.idx.msk [tilespmem:v54+s10+$0x0], $0xffff  }
0x1f4: {  	v61 =	vand.u32 $0x3000, v58;
	v60 =	vor.u32 v6, v60;
	v1 =	vld.idx.msk [tilespmem:v16+s10+$0x0], $0xffff;
	v16 =	vsel vm0, $0x10, v4  }
0x1f5: {  	v62 =	vsel vm2, $0x10, v4;
	v61 =	vor.u32 v6, v61;
	v8 =	vadd.s32 v16, v8  }
0x1f6: {  	v48 =	vadd.s32 v62, v48;
	v16 =	vadd.s32 v57, v49;
	v49 =	vadd.s32 $0xFFFFFFF0, v8  }
0x1f7: {  	v62 =	vadd.s32 $0xFFFFFFF0, v48;
	v57 =	vadd.s32 $0xFFFFFFF0, v16;
	vm0 =	vgt.s32 v49, v11  }
0x1f8: {  	v59 =	vld.idx.msk [tilespmem:v59+s10+$0x0], $0xffff;
	vm1 =	vgt.s32 v57, v11;
	v11 =	vsub.f32 v15, v63;
	v63 =	vmovc v0;
	v0 =	vlaneseq.u32  }
0x1f9: {  	v60 =	vld.idx.msk [tilespmem:v60+s10+$0x0], $0xffff;
	vm2 =	vlt.f32 v54, v46;
	v49 =	vsel vm0, v49, v0;
	vm0 =	vgt.s32 v62, v0  }
0x1fa: {  	v54 =	vld.idx.msk [tilespmem:v61+s10+$0x0], $0xffff;
	v61 =	vsel vm2, $0x800, v4;
	v1 =	vsub.f32 v22, v1;
	vm2 =	vgt.f32 v11, v23  }
0x1fb: {  	v57 =	vsel vm1, v57, v0;
	v23 =	vmovc v50;
	v51 =	vor.u32 v61, v51;
	v61 =	vsel vm2, $0x10, v4  }
0x1fc: {  	v50 =	vand.u32 $0x3800, v51;
	vm1 =	vgt.f32 v1, v23;
	v1 =	vadd.s32 v61, v53  }
0x1fd: {  	v15 =	vmovc v22;
	v22 =	vmovc v46;
	v53 =	vsel vm0, v62, v0;
	v46 =	vor.u32 v3, v50;
	v61 =	vsel vm1, $0x1000, v4  }
0x1fe: {  	s16 =	sadd.s32 $0x40, s16;
	v10 =	vld.idx.msk [tilespmem:v10+s10+$0x0], $0xffff;
	v1 =	vshrl.u32 v1, $0x4;
	vm1 =	vlt.f32 v59, v37;
	v50 =	vor.u32 v61, v55  }
0x1ff: {  	vm0 =	vlt.f32 v60, v35;
	[tilespmem:s16+$0x10] =	vst v1;
	v1 =	vsel vm1, $0x800, v4;
	v55 =	vand.u32 $0x3000, v50  }
0x200: {  	v62 =	vsel vm0, $0x800, v4;
	v49 =	vld.idx.msk [tilespmem:v49+s10+$0x0], $0xffff;
	v1 =	vor.u32 v1, v52;
	v55 =	vor.u32 v6, v55  }
0x201: {  	vm0 =	vlt.f32 v54, v34;
	v54 =	vld.idx.msk [tilespmem:v57+s10+$0x0], $0xffff;
	v52 =	vor.u32 v62, v56;
	v61 =	vand.u32 $0x3800, v1  }
0x202: {  	v60 =	vsel vm0, $0x800, v4;
	v59 =	vand.u32 $0x3800, v52;
	v57 =	vor.u32 v3, v61;
	v46 =	vld.idx.msk [tilespmem:v46+s10+$0x0], $0xffff  }
0x203: {  	v10 =	vsub.f32 v14, v10;
	v56 =	vor.u32 v60, v58;
	v58 =	vor.u32 v3, v59  }
0x204: {  	vm8 =	vgt.f32 v9, v25;
	v60 =	vmin.u32 v8, v63;
	v62 =	vand.u32 $0x3800, v56  }
0x205: {  	vm9 =	vgt.f32 v10, v24;
	v59 =	vor.u32 v3, v62;
	v62 =	vsub.f32 v21, v49;
	v49 =	vld.idx.msk [tilespmem:v55+s10+$0x0], $0xffff  }
0x206: {  	vm3 =	vlt.u32 v16, $0x4000;
	vm1 =	vlt.u32 v8, $0x4000;
	vm0 =	vgt.f32 v47, v26;
	v53 =	vld.idx.msk [tilespmem:v53+s10+$0x0], $0xffff  }
0x207: {  	v8 =	vmin.u32 v48, v63;
	v61 =	vmin.u32 v16, v63;
	v16 =	vld.idx.msk [tilespmem:v57+s10+$0x0], $0xffff;
	vm4 =	vlt.f32 v46, v22  }
0x208: {  	v46 =	vsel vm0, $0x100, v4;
	vm0 =	vgt.f32 v36, v17;
	v36 =	vld.idx.msk [tilespmem:v58+s10+$0x0], $0xffff;
	v58 =	vsel vm4, $0x400, v4  }
0x209: {  	vm2 =	vlt.u32 v48, $0x4000;
	v48 =	vsel vm8, $0x100, v4;
	v55 =	vld.idx.msk [tilespmem:v60+s10+$0x0], $0xffff;
	v51 =	vor.u32 v58, v51  }
0x20a: {  	v48 =	vor.u32 v48, v41;
	v9 =	vld.idx.msk [tilespmem:v59+s10+$0x0], $0xffff;
	v10 =	vor.u32 $0x1F0, v51;
	v57 =	vsub.f32 v15, v49  }
0x20b: {  	v41 =	vand.u32 $0xFFFFFF80, v48;
	v54 =	vsub.f32 v20, v54  }
0x20c: {  	v60 =	vsel vm9, $0x100, v4;
	v8 =	vld.idx.msk [tilespmem:v8+s10+$0x0], $0xffff;
	v53 =	vsub.f32 v19, v53;
	vm10 =	vgt.f32 v57, v23  }
0x20d: {  	v47 =	vor.u32 v46, v45;
	vm5 =	vlt.f32 v16, v37;
	v16 =	vsel vm10, $0x800, v4  }
0x20e: {  	v58 =	vld.idx.msk [tilespmem:v61+s10+$0x0], $0xffff;
	v55 =	vsub.f32 v55, v21;
	v59 =	vsel vm5, $0x400, v4;
	v16 =	vor.u32 v16, v50  }
0x20f: {  	vm11 =	vlt.f32 v36, v35;
	vm12 =	vlt.f32 v9, v34;
	v9 =	vld.idx.msk [tilespmem:v10+s10+$0x0], $0xffff;
	v10 =	vand.u32 $0x3800, v16  }
0x210: {  	v36 =	vsel vm11, $0x400, v4;
	v1 =	vor.u32 v59, v1;
	v10 =	vor.u32 v3, v10  }
0x211: {  	v8 =	vsub.f32 v8, v19;
	v50 =	vor.u32 $0x1F0, v1;
	v52 =	vor.u32 v36, v52  }
0x212: {  	v49 =	vor.u32 v60, v40;
	v40 =	vand.u32 $0xFFFFFF80, v47;
	v36 =	vor.u32 $0x1F0, v52  }
0x213: {  	v61 =	vand.u32 $0xFFFFFF80, v49;
	vm13 =	vgt.f32 v62, v55;
	vm7 =	vgt.f32 v53, v8  }
0x214: {  	v60 =	vsel vm12, $0x400, v4;
	v59 =	vor.u32 v27, v41;
	v57 =	vsub.f32 v58, v20  }
0x215: {  	vm1 =	vmand vm13, vm1;
	v56 =	vor.u32 v60, v56;
	vm14 =	vlt.f32 v9, v22;
	v9 =	vld.idx.msk [tilespmem:v10+s10+$0x0], $0xffff  }
0x216: {  	v58 =	vor.u32 v27, v40;
	v46 =	vor.u32 $0x1F0, v56;
	vm6 =	vgt.f32 v54, v57;
	v10 =	vld.idx.msk [tilespmem:v50+s10+$0x0], $0xffff  }
0x217: {  	v41 =	vsel vm1, v55, v62;
	vm1 =	vmand vm7, vm2;
	vm3 =	vmand vm6, vm3;
	v50 =	vld.idx.msk [tilespmem:v36+s10+$0x0], $0xffff  }
0x218: {  	v60 =	vor.u32 v27, v61;
	v40 =	vsel vm3, v57, v54;
	v36 =	vsel vm1, v8, v53;
	v8 =	vld [tilespmem:$0x1FFE0]  }
0x219: {  	v61 =	vsel vm14, $0x200, v4;
	vm1 =	vgt.f32 v31, v41;
	vm3 =	vgt.f32 v33, v36  }
0x21a: {  	v51 =	vor.u32 v61, v51;
	v53 =	vsel vm1, v2, v0;
	v45 =	vsel vm3, v2, v0  }
0x21b: {  	v55 =	vld.idx.msk [tilespmem:v46+s10+$0x0], $0xffff;
	v31 =	vmovc v43;
	v61 =	vor.u32 $0xF0, v51;
	v33 =	vand.u32 $0x2000, v53;
	v43 =	vand.u32 $0x2000, v45  }
0x21c: {  	v43 =	vor.u32 v5, v43  }
0x21d: {  	vm2 =	vgt.f32 v8, v40;
	v9 =	vsub.f32 v15, v9;
	vm1 =	vlt.f32 v10, v37  }
0x21e: {  	v54 =	vld.idx.msk [tilespmem:v59+s10+$0x0], $0xffff;
	v10 =	vor.u32 v5, v33;
	v33 =	vmovc v42;
	v46 =	vsel vm2, v2, v0;
	v42 =	vsel vm1, $0x200, v4  }
0x21f: {  	v8 =	vld.idx.msk [tilespmem:v58+s10+$0x0], $0xffff;
	vm1 =	vlt.f32 v50, v35;
	v57 =	vand.u32 $0x2000, v46;
	vm2 =	vgt.f32 v9, v23  }
0x220: {  	v11 =	vmovc v44;
	v44 =	vld.idx.msk [tilespmem:v61+s10+$0x0], $0xffff;
	v9 =	vsel vm1, $0x200, v4;
	vm1 =	vlt.f32 v55, v34;
	v1 =	vor.u32 v42, v1  }
0x221: {  	v58 =	vld.idx.msk [tilespmem:v60+s10+$0x0], $0xffff;
	v59 =	vsel vm2, $0x400, v4;
	v60 =	vsel vm1, $0x200, v4;
	v9 =	vor.u32 v9, v52  }
0x222: {  	v52 =	vor.u32 $0xF0, v1;
	v57 =	vor.u32 v5, v57;
	v16 =	vor.u32 v59, v16  }
0x223: {  	v50 =	vor.u32 v60, v56;
	v55 =	vor.u32 $0xF0, v9;
	v59 =	vld.idx.msk [tilespmem:v43+s10+$0x0], $0xffff;
	v42 =	vor.u32 $0x1F0, v16  }
0x224: {  	v43 =	vadd.s32 v38, v30;
	v30 =	vsub.f32 v28, v39;
	v10 =	vld.idx.msk [tilespmem:v10+s10+$0x0], $0xffff;
	v8 =	vsub.f32 v32, v8  }
0x225: {  	v56 =	vor.u32 $0xF0, v50;
	vm1 =	vlt.f32 v44, v22;
	v44 =	vsub.f32 v13, v54  }
0x226: {  	v62 =	vsub.f32 v14, v58;
	v60 =	vsel vm1, $0x100, v4;
	vm1 =	vgt.f32 v8, v26  }
0x227: {  	v8 =	vsel vm0, $0x10, v4;
	v51 =	vor.u32 v60, v51;
	vm0 =	vgt.f32 v44, v25;
	v44 =	vld.idx.msk [tilespmem:v52+s10+$0x0], $0xffff  }
0x228: {  	vm2 =	vgt.f32 v62, v24;
	v54 =	vsel vm1, $0x80, v4;
	v42 =	vld.idx.msk [tilespmem:v42+s10+$0x0], $0xffff;
	v62 =	vand.u32 $0xFFFFFF80, v51  }
0x229: {  	v55 =	vld.idx.msk [tilespmem:v55+s10+$0x0], $0xffff;
	v60 =	vsel vm0, $0x80, v4;
	v10 =	vsub.f32 v21, v10;
	v47 =	vor.u32 v54, v47  }
0x22a: {  	v56 =	vld.idx.msk [tilespmem:v56+s10+$0x0], $0xffff;
	v52 =	vor.u32 v27, v62;
	v62 =	vsel vm2, $0x80, v4;
	v48 =	vor.u32 v60, v48  }
0x22b: {  	v54 =	vadd.s32 $0x30, v47;
	v49 =	vor.u32 v62, v49;
	vm0 =	vgt.f32 v10, v41  }
0x22c: {  	v10 =	vld.idx.msk [tilespmem:v57+s10+$0x0], $0xffff;
	v57 =	vadd.s32 $0x30, v48;
	v58 =	vsel vm0, $0x1000, v4;
	v60 =	vadd.s32 $0x30, v49  }
0x22d: {  	v38 =	vor.u32 v58, v53;
	vm0 =	vlt.f32 v44, v37;
	v58 =	vsub.f32 v15, v42  }
0x22e: {  	v42 =	vadd.s32 v8, v29;
	v62 =	vsel vm0, $0x100, v4;
	vm0 =	vlt.f32 v55, v35  }
0x22f: {  	[tilespmem:$0x1FFE0] =	vst v11;
	v11 =	vmovc v32;
	v29 =	vand.u32 $0x3000, v38;
	v32 =	vsel vm0, $0x100, v4;
	vm0 =	vlt.f32 v56, v34  }
0x230: {  	v8 =	vld.idx.msk [tilespmem:v52+s10+$0x0], $0xffff;
	v1 =	vor.u32 v62, v1;
	vm1 =	vgt.f32 v58, v23;
	v62 =	vsel vm0, $0x100, v4  }
0x231: {  	v44 =	vld.idx.msk [tilespmem:v57+s10+$0x0], $0xffff;
	v9 =	vor.u32 v32, v9;
	v32 =	vand.u32 $0xFFFFFF80, v1;
	v58 =	vsel vm1, $0x200, v4  }
0x232: {  	v61 =	vmovc v5;
	v39 =	vor.u32 v62, v50;
	v50 =	vld.idx.msk [tilespmem:v60+s10+$0x0], $0xffff;
	v60 =	vand.u32 $0xFFFFFF80, v9;
	v53 =	vor.u32 v27, v32  }
0x233: {  	v52 =	vld.idx.msk [tilespmem:v54+s10+$0x0], $0xffff;
	v29 =	vor.u32 v6, v29;
	v16 =	vor.u32 v58, v16;
	v54 =	vor.u32 v27, v60  }
0x234: {  	v5 =	vmovc v21;
	v21 =	vmovc v37;
	v10 =	vsub.f32 v20, v10;
	v62 =	vand.u32 $0xFFFFFF80, v39;
	v37 =	vor.u32 $0xF0, v16  }
0x235: {  	v60 =	vsub.f32 v19, v59;
	v55 =	vor.u32 v27, v62;
	vm0 =	vlt.f32 v8, v22  }
0x236: {  	v8 =	vld.idx.msk [tilespmem:v42+s10+$0x0], $0xffff;
	v32 =	vsel vm0, $0x80, v4;
	vm0 =	vgt.f32 v10, v40;
	v44 =	vsub.f32 v13, v44  }
0x237: {  	v51 =	vor.u32 v32, v51;
	v62 =	vsel vm0, $0x1000, v4;
	vm0 =	vgt.f32 v60, v36;
	v53 =	vld.idx.msk [tilespmem:v53+s10+$0x0], $0xffff  }
0x238: {  	v50 =	vsub.f32 v14, v50;
	v58 =	vadd.s32 $0x30, v51;
	v46 =	vor.u32 v62, v46;
	v54 =	vld.idx.msk [tilespmem:v54+s10+$0x0], $0xffff  }
0x239: {  	v32 =	vsel vm0, $0x1000, v4;
	v10 =	vld.idx.msk [tilespmem:v37+s10+$0x0], $0xffff;
	v37 =	vsub.f32 v11, v52;
	v60 =	vand.u32 $0x3000, v46  }
0x23a: {  	vm1 =	vgt.f32 v44, v25;
	v45 =	vor.u32 v32, v45;
	v52 =	vld.idx.msk [tilespmem:v55+s10+$0x0], $0xffff;
	v55 =	vor.u32 v6, v60  }
0x23b: {  	v62 =	vand.u32 $0x3000, v45;
	v8 =	vsub.f32 v7, v8;
	vm0 =	vgt.f32 v37, v26  }
0x23c: {  	v57 =	vor.u32 v6, v62;
	v32 =	vsel vm0, $0x40, v4;
	vm0 =	vgt.f32 v50, v24;
	v50 =	vld.idx.msk [tilespmem:v29+s10+$0x0], $0xffff  }
0x23d: {  	v29 =	vsel vm1, $0x40, v4;
	v44 =	vld.idx.msk [tilespmem:v58+s10+$0x0], $0xffff;
	v60 =	vsel vm0, $0x40, v4;
	v47 =	vadd.s32 v32, v47  }
0x23e: {  	v29 =	vadd.s32 v29, v48;
	vm0 =	vlt.f32 v53, v21;
	v10 =	vsub.f32 v15, v10  }
0x23f: {  	v37 =	vadd.s32 v60, v49;
	v62 =	vsel vm0, $0x80, v4;
	vm0 =	vlt.f32 v54, v35  }
0x240: {  	v54 =	vsel vm0, $0x80, v4;
	vm0 =	vlt.f32 v52, v34;
	vm1 =	vgt.f32 v10, v23  }
0x241: {  	v49 =	vld.idx.msk [tilespmem:v55+s10+$0x0], $0xffff;
	v1 =	vor.u32 v62, v1;
	v10 =	vadd.s32 $0x10, v47;
	v32 =	vsel vm1, $0x100, v4  }
0x242: {  	v58 =	vld.idx.msk [tilespmem:v57+s10+$0x0], $0xffff;
	v59 =	vsel vm0, $0x80, v4;
	v16 =	vor.u32 v32, v16;
	vm0 =	vlt.f32 v44, v22  }
0x243: {  	v9 =	vor.u32 v54, v9;
	v60 =	vand.u32 $0xFFFFFF80, v16;
	v62 =	vsel vm0, $0x40, v4  }
0x244: {  	v28 =	vld [tilespmem:$0x1FFB0];
	v57 =	vadd.s32 $0x10, v29;
	v44 =	vor.u32 v27, v60;
	v48 =	vadd.s32 v62, v51  }
0x245: {  	v56 =	vld.idx.msk [tilespmem:v43+s10+$0x0], $0xffff;
	v39 =	vor.u32 v59, v39;
	v50 =	vsub.f32 v5, v50;
	v54 =	vadd.s32 $0x10, v48  }
0x246: {  	v7 =	vld [tilespmem:$0x1FFC0];
	v53 =	vadd.s32 $0x30, v9;
	v51 =	vadd.s32 $0x30, v1;
	v49 =	vsub.f32 v20, v49  }
0x247: {  	v55 =	vadd.s32 $0x30, v39;
	vm0 =	vgt.f32 v50, v41;
	v10 =	vld.idx.msk [tilespmem:v10+s10+$0x0], $0xffff;
	v52 =	vsub.f32 v19, v58  }
0x248: {  	v50 =	vsel vm0, $0x800, v4;
	v58 =	vadd.s32 $0x10, v37;
	vm1 =	vgt.f32 v49, v40  }
0x249: {  	v38 =	vor.u32 v50, v38;
	v32 =	vsel vm1, $0x800, v4;
	vm0 =	vgt.f32 v52, v36;
	v44 =	vld.idx.msk [tilespmem:v44+s10+$0x0], $0xffff  }
0x24a: {  	v49 =	vsub.f32 v28, v56;
	v46 =	vor.u32 v32, v46;
	v50 =	vsel vm0, $0x800, v4;
	v52 =	vld.idx.msk [tilespmem:v54+s10+$0x0], $0xffff  }
0x24b: {  	v62 =	vmovc v20;
	v20 =	vmovc v35;
	v32 =	vand.u32 $0x3800, v38;
	vm0 =	vgt.f32 v30, v7;
	v35 =	vld.idx.msk [tilespmem:v51+s10+$0x0], $0xffff;
	v60 =	vand.u32 $0x3800, v46  }
0x24c: {  	v45 =	vor.u32 v50, v45;
	v50 =	vld.idx.msk [tilespmem:v53+s10+$0x0], $0xffff;
	v51 =	vor.u32 v3, v32;
	v10 =	vsub.f32 v11, v10  }
0x24d: {  	v56 =	vld.idx.msk [tilespmem:v57+s10+$0x0], $0xffff;
	v57 =	vsel vm0, $0x10, v4;
	vm0 =	vgt.f32 v8, v17;
	v53 =	vor.u32 v3, v60  }
0x24e: {  	v55 =	vld.idx.msk [tilespmem:v55+s10+$0x0], $0xffff;
	v32 =	vand.u32 $0x3800, v45;
	vm2 =	vgt.f32 v10, v26;
	v44 =	vsub.f32 v15, v44  }
0x24f: {  	v59 =	vmovc v13;
	v13 =	vmovc v19;
	v54 =	vor.u32 v3, v32;
	v8 =	vsel vm2, $0x20, v4;
	vm3 =	vlt.f32 v52, v22  }
0x250: {  	v19 =	vmovc v34;
	v10 =	vld.idx.msk [tilespmem:v58+s10+$0x0], $0xffff;
	vm2 =	vlt.f32 v35, v21;
	vm15 =	vgt.f32 v44, v23;
	v17 =	vsel vm3, $0x20, v4  }
0x251: {  	v58 =	vmovc v14;
	v30 =	vld.idx.msk [tilespmem:v51+s10+$0x0], $0xffff;
	vm3 =	vlt.f32 v50, v20;
	v14 =	vsel vm15, $0x80, v4;
	v34 =	vadd.s32 v17, v48  }
0x252: {  	v52 =	vsel vm3, $0x40, v4;
	v16 =	vor.u32 v14, v16;
	v14 =	vsel vm2, $0x40, v4  }
0x253: {  	v35 =	vld.idx.msk [tilespmem:v53+s10+$0x0], $0xffff;
	vm2 =	vlt.f32 v55, v19;
	v44 =	vadd.s32 $0x30, v16;
	v1 =	vadd.s32 v14, v1  }
0x254: {  	v60 =	vmovc v26;
	v26 =	vmovc v41;
	v41 =	vld.idx.msk [tilespmem:v54+s10+$0x0], $0xffff;
	v9 =	vadd.s32 v52, v9;
	v53 =	vsel vm2, $0x40, v4;
	v54 =	vadd.s32 $0x10, v1  }
0x255: {  	v48 =	vadd.s32 v53, v39;
	v39 =	vadd.s32 $0x10, v9  }
0x256: {  	vm1 =	vgt.f32 v49, v18;
	v30 =	vsub.f32 v5, v30  }
0x257: {  	v8 =	vadd.s32 v8, v47;
	v10 =	vsub.f32 v58, v10;
	v55 =	vsub.f32 v59, v56;
	v56 =	vld.idx.msk [tilespmem:v34+s10+$0x0], $0xffff  }
0x258: {  	v51 =	vsel vm1, $0x10, v4;
	v17 =	vmovc v24;
	v35 =	vsub.f32 v62, v35;
	vm1 =	vgt.f32 v30, v26;
	v44 =	vld.idx.msk [tilespmem:v44+s10+$0x0], $0xffff  }
0x259: {  	v18 =	vmovc v25;
	v25 =	vmovc v40;
	vm3 =	vgt.f32 v10, v17;
	v40 =	vadd.s32 $0x10, v48;
	v10 =	vld.idx.msk [tilespmem:v54+s10+$0x0], $0xffff;
	v54 =	vsel vm1, $0x400, v4  }
0x25a: {  	v30 =	vsub.f32 v13, v41;
	vm1 =	vgt.f32 v35, v25;
	v47 =	vld.idx.msk [tilespmem:v39+s10+$0x0], $0xffff;
	v39 =	vor.u32 v54, v38  }
0x25b: {  	v24 =	vmovc v36;
	vm2 =	vgt.f32 v55, v18;
	v55 =	vsel vm1, $0x400, v4;
	v49 =	vor.u32 $0x1F0, v39  }
0x25c: {  	v35 =	vsel vm2, $0x20, v4;
	vm1 =	vgt.f32 v30, v24;
	v41 =	vor.u32 v55, v46  }
0x25d: {  	v30 =	vsel vm1, $0x400, v4;
	vm1 =	vlt.f32 v56, v22;
	v36 =	vor.u32 $0x1F0, v41  }
0x25e: {  	v38 =	vld.idx.msk [tilespmem:v40+s10+$0x0], $0xffff;
	v40 =	vor.u32 v30, v45;
	v56 =	vsel vm1, $0x10, v4;
	vm1 =	vlt.f32 v10, v21  }
0x25f: {  	v45 =	vld.idx.msk [tilespmem:v8+s10+$0x0], $0xffff;
	v44 =	vsub.f32 v15, v44;
	v10 =	vsel vm1, $0x20, v4;
	vm1 =	vlt.f32 v47, v20  }
0x260: {  	v46 =	vsel vm3, $0x20, v4;
	v50 =	vor.u32 $0x1F0, v40;
	v52 =	vld.idx.msk [tilespmem:v49+s10+$0x0], $0xffff;
	v54 =	vsel vm1, $0x20, v4  }
0x261: {  	v30 =	vadd.s32 v35, v29;
	vm2 =	vgt.f32 v44, v23;
	v49 =	vadd.s32 v54, v9;
	v9 =	vld [tilespmem:$0x1FFD0]  }
0x262: {  	v29 =	vadd.s32 v46, v37;
	v53 =	vsel vm2, $0x40, v4  }
0x263: {  	v7 =	vld [tilespmem:$0x1FFF0];
	v37 =	vadd.s32 v56, v34;
	vm1 =	vlt.f32 v38, v19;
	v38 =	vadd.s32 v53, v16  }
0x264: {  	s17 =	sadd.s32 $0x4, s17;
	v47 =	vadd.s32 v10, v1;
	v55 =	vld.idx.msk [tilespmem:v36+s10+$0x0], $0xffff;
	v1 =	vsel vm1, $0x20, v4;
	v16 =	vadd.s32 $0x10, v38  }
0x265: {  	p0 =	slt.u32 s17, $0x7C;
	v10 =	vld.idx.msk [tilespmem:v50+s10+$0x0], $0xffff;
	v48 =	vadd.s32 v1, v48;
	v1 =	vsub.f32 v11, v45  }
.Ltmp1:
0x266: {  	v28 =	vadd.s32 v51, v43;
	v56 =	vsel vm0, $0x10, v4;
	v35 =	vld.idx.msk [tilespmem:v30+s10+$0x0], $0xffff;
	v9 =	vadd.s32 v57, v9;
	(pc) =	sbr.rel @p0 .LBB2_4-.Ltmp1, $4  }
0x267: {  	v36 =	vld.idx.msk [tilespmem:v29+s10+$0x0], $0xffff;
	vm0 =	vgt.f32 v1, v60;
	v44 =	vsub.f32 v5, v52;
	v1 =	vshrl.u32 v9, $0x4  }
0x268: {  	v34 =	vld.idx.msk [tilespmem:v37+s10+$0x0], $0xffff;
	v57 =	vsel vm0, $0x10, v4;
	v9 =	vadd.s32 v56, v42;
	[tilespmem:s15+$0xFFFFFFE0] =	vst v1;
	v1 =	vshrl.u32 v28, $0x4  }
0x269: {  	v43 =	vsub.f32 v62, v55;
	v42 =	vld.idx.msk [tilespmem:v16+s10+$0x0], $0xffff;
	v14 =	vadd.s32 v57, v8;
	[tilespmem:s15+$0xFFFFFFF0] =	vst v1;
	v1 =	vshrl.u32 v9, $0x4  }
0x26a: {  	v32 =	vmov v5;
	vm0 =	vgt.f32 v44, v26;
	v44 =	vsub.f32 v13, v10;
	v50 =	vld.idx.msk [tilespmem:v47+s10+$0x0], $0xffff;
	[tilespmem:s15+$0x0] =	vst v1;
	s15 =	smov.u32 s16  }
0x26b: {  	_ =	sdelay $0x3  }
0x26c: {  	v1 =	vld.idx.msk [tilespmem:v49+s10+$0x0], $0xffff  }
0x26d: {  	v8 =	vld.idx.msk [tilespmem:v48+s10+$0x0], $0xffff;
	_ =	sdelay $0x2  }
0x26e: {  	vm1 =	vlt.f32 v50, v21  }
0x26f: {  	vm2 =	vlt.f32 v1, v20;
	v1 =	vsel vm1, $0x10, v4  }
0x270: {  	vm13 =	vlt.f32 v8, v19;
	v9 =	vsel vm2, $0x10, v4;
	v1 =	vadd.s32 v1, v47  }
0x271: {  	v51 =	vsel vm13, $0x10, v4;
	v8 =	vadd.s32 v9, v49  }
0x272: {  	vm14 =	vlt.f32 v34, v22;
	v9 =	vadd.s32 v51, v48  }
0x273: {  	v16 =	vsel vm14, $0x10, v4  }
0x274: {  	v16 =	vadd.s32 v16, v37  }
0x275: {  	v37 =	vadd.s32 $0xFFFFFFF0, v16;
	v10 =	vld.idx.msk [tilespmem:v1+s10+$0x0], $0xffff  }
0x276: {  	vm15 =	vgt.s32 v37, v0;
	v52 =	vld.idx.msk [tilespmem:v8+s10+$0x0], $0xffff  }
0x277: {  	v37 =	vsel vm15, v37, v0;
	v45 =	vld.idx.msk [tilespmem:v9+s10+$0x0], $0xffff  }
0x278: {  	v46 =	vmin.u32 v16, v63;
	_ =	sdelay $0x2  }
0x279: {  	vm4 =	vlt.f32 v10, v21  }
0x27a: {  	v37 =	vld.idx.msk [tilespmem:v37+s10+$0x0], $0xffff;
	vm5 =	vlt.f32 v52, v20;
	v10 =	vsel vm4, $0x10, v4;
	vm6 =	vlt.f32 v45, v19  }
0x27b: {  	v53 =	vld.idx.msk [tilespmem:v46+s10+$0x0], $0xffff;
	v34 =	vsel vm5, $0x10, v4;
	v1 =	vadd.s32 v10, v1;
	v45 =	vsel vm6, $0x10, v4  }
0x27c: {  	v8 =	vadd.s32 v34, v8;
	v10 =	vadd.s32 $0xFFFFFFF0, v1;
	v55 =	vmin.u32 v1, v63  }
0x27d: {  	v54 =	vadd.s32 $0xFFFFFFF0, v8;
	vm7 =	vgt.s32 v10, v0;
	v56 =	vmin.u32 v8, v63  }
0x27e: {  	v9 =	vadd.s32 v45, v9;
	vm8 =	vgt.s32 v54, v0;
	v10 =	vsel vm7, v10, v0  }
0x27f: {  	v37 =	vsub.f32 v22, v37;
	v45 =	vadd.s32 $0xFFFFFFF0, v9;
	v46 =	vsel vm8, v54, v0  }
0x280: {  	v34 =	vsub.f32 v53, v22;
	v57 =	vmin.u32 v9, v63;
	vm9 =	vgt.s32 v45, v0  }
0x281: {  	v45 =	vsel vm9, v45, v0;
	v28 =	vld.idx.msk [tilespmem:v55+s10+$0x0], $0xffff  }
0x282: {  	vm10 =	vlt.u32 v16, $0x4000;
	vm11 =	vgt.f32 v37, v34;
	v52 =	vld.idx.msk [tilespmem:v56+s10+$0x0], $0xffff  }
0x283: {  	v5 =	vsub.f32 v22, v12;
	vm1 =	vmand vm11, vm10;
	v10 =	vld.idx.msk [tilespmem:v10+s10+$0x0], $0xffff  }
0x284: {  	v37 =	vsel vm1, v34, v37;
	v46 =	vld.idx.msk [tilespmem:v46+s10+$0x0], $0xffff  }
0x285: {  	vm1 =	vgt.f32 v5, v37;
	v5 =	vld.idx.msk [tilespmem:v57+s10+$0x0], $0xffff  }
0x286: {  	v53 =	vsel vm1, v2, v0;
	v45 =	vld.idx.msk [tilespmem:v45+s10+$0x0], $0xffff  }
0x287: {  	vm12 =	vlt.u32 v1, $0x4000;
	v54 =	vand.u32 $0x2000, v53  }
0x288: {  	v1 =	vor.u32 v61, v54;
	v16 =	vsub.f32 v28, v21;
	v10 =	vsub.f32 v21, v10  }
0x289: {  	vm14 =	vlt.u32 v8, $0x4000;
	v8 =	vld [tilespmem:$0x1FFE0];
	v34 =	vsub.f32 v52, v20;
	v46 =	vsub.f32 v20, v46  }
0x28a: {  	v55 =	vsub.f32 v5, v19;
	vm13 =	vgt.f32 v10, v16  }
0x28b: {  	v45 =	vsub.f32 v19, v45;
	vm1 =	vmand vm13, vm12;
	vm15 =	vgt.f32 v46, v34  }
0x28c: {  	vm3 =	vlt.u32 v9, $0x4000;
	v5 =	vsel vm1, v16, v10;
	vm1 =	vmand vm15, vm14  }
0x28d: {  	v1 =	vld.idx.msk [tilespmem:v1+s10+$0x0], $0xffff;
	vm4 =	vgt.f32 v45, v55;
	v34 =	vsel vm1, v34, v46;
	vm5 =	vgt.f32 v31, v5  }
0x28e: {  	vm4 =	vmand vm4, vm3;
	vm6 =	vgt.f32 v8, v34;
	v8 =	vsel vm5, v2, v0  }
0x28f: {  	v48 =	vsel vm4, v55, v45;
	v56 =	vsel vm6, v2, v0;
	v57 =	vand.u32 $0x2000, v8  }
0x290: {  	vm7 =	vgt.f32 v33, v48;
	v45 =	vand.u32 $0x2000, v56;
	v10 =	vor.u32 v61, v57  }
0x291: {  	v12 =	vsel vm7, v2, v0;
	v31 =	vor.u32 v61, v45  }
0x292: {  	v1 =	vsub.f32 v22, v1;
	v46 =	vand.u32 $0x2000, v12  }
0x293: {  	v33 =	vor.u32 v61, v46  }
0x294: {  	vm8 =	vgt.f32 v1, v37  }
0x295: {  	v49 =	vsel vm8, $0x1000, v4;
	v1 =	vld.idx.msk [tilespmem:v10+s10+$0x0], $0xffff  }
0x296: {  	v10 =	vor.u32 v49, v53;
	v31 =	vld.idx.msk [tilespmem:v31+s10+$0x0], $0xffff  }
0x297: {  	v50 =	vand.u32 $0x3000, v10  }
0x298: {  	v33 =	vld.idx.msk [tilespmem:v33+s10+$0x0], $0xffff;
	v45 =	vor.u32 v6, v50;
	_ =	sdelay $0x1  }
0x299: {  	v1 =	vsub.f32 v21, v1  }
0x29a: {  	v31 =	vsub.f32 v20, v31  }
0x29b: {  	vm9 =	vgt.f32 v1, v5  }
0x29c: {  	v1 =	vsub.f32 v19, v33;
	v52 =	vld.idx.msk [tilespmem:v45+s10+$0x0], $0xffff;
	v51 =	vsel vm9, $0x1000, v4;
	vm10 =	vgt.f32 v31, v34  }
0x29d: {  	v8 =	vor.u32 v51, v8;
	v53 =	vsel vm10, $0x1000, v4  }
0x29e: {  	vm11 =	vgt.f32 v1, v48;
	v1 =	vand.u32 $0x3000, v8;
	v9 =	vor.u32 v53, v56  }
0x29f: {  	v54 =	vsel vm11, $0x1000, v4;
	v1 =	vor.u32 v6, v1;
	v55 =	vand.u32 $0x3000, v9  }
0x2a0: {  	v16 =	vor.u32 v54, v12;
	v56 =	vor.u32 v6, v55  }
0x2a1: {  	v57 =	vand.u32 $0x3000, v16;
	v31 =	vsub.f32 v22, v52  }
0x2a2: {  	v45 =	vor.u32 v6, v57  }
0x2a3: {  	vm12 =	vgt.f32 v31, v37  }
0x2a4: {  	v31 =	vsel vm12, $0x800, v4;
	v1 =	vld.idx.msk [tilespmem:v1+s10+$0x0], $0xffff  }
0x2a5: {  	v10 =	vor.u32 v31, v10;
	v33 =	vld.idx.msk [tilespmem:v56+s10+$0x0], $0xffff  }
0x2a6: {  	v28 =	vand.u32 $0x3800, v10  }
0x2a7: {  	v12 =	vld.idx.msk [tilespmem:v45+s10+$0x0], $0xffff;
	v45 =	vor.u32 v3, v28;
	_ =	sdelay $0x1  }
0x2a8: {  	v1 =	vsub.f32 v21, v1  }
0x2a9: {  	v33 =	vsub.f32 v20, v33  }
0x2aa: {  	vm13 =	vgt.f32 v1, v5  }
0x2ab: {  	v31 =	vsub.f32 v19, v12;
	v49 =	vld.idx.msk [tilespmem:v45+s10+$0x0], $0xffff;
	vm14 =	vgt.f32 v33, v34;
	v1 =	vsel vm13, $0x800, v4  }
0x2ac: {  	v50 =	vsel vm14, $0x800, v4;
	v1 =	vor.u32 v1, v8  }
0x2ad: {  	vm15 =	vgt.f32 v31, v48;
	v8 =	vor.u32 v50, v9;
	v52 =	vand.u32 $0x3800, v1  }
0x2ae: {  	v51 =	vsel vm15, $0x800, v4;
	v45 =	vand.u32 $0x3800, v8;
	v53 =	vor.u32 v3, v52  }
0x2af: {  	v9 =	vor.u32 v51, v16;
	v54 =	vor.u32 v3, v45  }
0x2b0: {  	v55 =	vand.u32 $0x3800, v9;
	v33 =	vsub.f32 v22, v49  }
0x2b1: {  	v45 =	vor.u32 v3, v55  }
0x2b2: {  	vm4 =	vgt.f32 v33, v37  }
0x2b3: {  	v33 =	vsel vm4, $0x400, v4;
	v16 =	vld.idx.msk [tilespmem:v53+s10+$0x0], $0xffff  }
0x2b4: {  	v10 =	vor.u32 v33, v10;
	v31 =	vld.idx.msk [tilespmem:v54+s10+$0x0], $0xffff  }
0x2b5: {  	v57 =	vor.u32 $0x1F0, v10  }
0x2b6: {  	v56 =	vld.idx.msk [tilespmem:v45+s10+$0x0], $0xffff;
	_ =	sdelay $0x1  }
0x2b7: {  	v16 =	vsub.f32 v21, v16  }
0x2b8: {  	v54 =	vsel vm0, $0x200, v4;
	v31 =	vsub.f32 v20, v31  }
0x2b9: {  	v39 =	vor.u32 v54, v39;
	v49 =	vld.idx.msk [tilespmem:v57+s10+$0x0], $0xffff;
	vm5 =	vgt.f32 v16, v5  }
0x2ba: {  	v12 =	vsub.f32 v19, v56;
	v50 =	vsel vm5, $0x400, v4;
	vm6 =	vgt.f32 v31, v34  }
0x2bb: {  	v56 =	vor.u32 $0xF0, v39;
	v1 =	vor.u32 v50, v1;
	v31 =	vsel vm6, $0x400, v4  }
0x2bc: {  	vm7 =	vgt.f32 v12, v48;
	v51 =	vor.u32 $0x1F0, v1;
	v8 =	vor.u32 v31, v8  }
0x2bd: {  	v52 =	vsel vm7, $0x400, v4;
	v53 =	vor.u32 $0x1F0, v8  }
0x2be: {  	vm8 =	vgt.f32 v43, v25;
	v9 =	vor.u32 v52, v9;
	v33 =	vsub.f32 v22, v49  }
0x2bf: {  	v55 =	vsel vm8, $0x200, v4;
	v31 =	vor.u32 $0x1F0, v9  }
0x2c0: {  	vm10 =	vgt.f32 v33, v37;
	v33 =	vor.u32 v55, v41;
	v41 =	vld.idx.msk [tilespmem:v56+s10+$0x0], $0xffff  }
0x2c1: {  	vm9 =	vgt.f32 v44, v24;
	v16 =	vld.idx.msk [tilespmem:v51+s10+$0x0], $0xffff  }
0x2c2: {  	v49 =	vsel vm9, $0x200, v4;
	v12 =	vld.idx.msk [tilespmem:v53+s10+$0x0], $0xffff  }
0x2c3: {  	v40 =	vor.u32 v49, v40  }
0x2c4: {  	v45 =	vor.u32 $0xF0, v40;
	v57 =	vsel vm10, $0x200, v4;
	v31 =	vld.idx.msk [tilespmem:v31+s10+$0x0], $0xffff  }
0x2c5: {  	v46 =	vor.u32 $0xF0, v33;
	v10 =	vor.u32 v57, v10;
	v41 =	vsub.f32 v32, v41  }
0x2c6: {  	v43 =	vor.u32 $0xF0, v10;
	v16 =	vsub.f32 v21, v16  }
0x2c7: {  	vm14 =	vgt.f32 v41, v26;
	v44 =	vsub.f32 v20, v12  }
0x2c8: {  	v49 =	vsel vm14, $0x100, v4;
	vm11 =	vgt.f32 v16, v5  }
0x2c9: {  	v53 =	vld.idx.msk [tilespmem:v45+s10+$0x0], $0xffff;
	v50 =	vsub.f32 v19, v31;
	v39 =	vor.u32 v49, v39;
	vm12 =	vgt.f32 v44, v34  }
0x2ca: {  	v46 =	vld.idx.msk [tilespmem:v46+s10+$0x0], $0xffff;
	v52 =	vsel vm11, $0x200, v4;
	v44 =	vand.u32 $0xFFFFFF80, v39;
	v54 =	vsel vm12, $0x200, v4  }
0x2cb: {  	v51 =	vld.idx.msk [tilespmem:v43+s10+$0x0], $0xffff;
	vm13 =	vgt.f32 v50, v48;
	v1 =	vor.u32 v52, v1;
	v44 =	vor.u32 v27, v44  }
0x2cc: {  	v16 =	vsel vm13, $0x200, v4;
	v8 =	vor.u32 v54, v8;
	v43 =	vor.u32 $0xF0, v1  }
0x2cd: {  	v9 =	vor.u32 v16, v9;
	v55 =	vor.u32 $0xF0, v8  }
0x2ce: {  	v12 =	vsub.f32 v13, v53;
	v57 =	vor.u32 $0xF0, v9  }
0x2cf: {  	v56 =	vsub.f32 v62, v46  }
0x2d0: {  	vm5 =	vgt.f32 v12, v24;
	v31 =	vsub.f32 v22, v51;
	v12 =	vld.idx.msk [tilespmem:v44+s10+$0x0], $0xffff  }
0x2d1: {  	vm15 =	vgt.f32 v56, v25;
	v50 =	vld.idx.msk [tilespmem:v43+s10+$0x0], $0xffff  }
0x2d2: {  	v45 =	vsel vm15, $0x100, v4;
	vm4 =	vgt.f32 v31, v37;
	v16 =	vld.idx.msk [tilespmem:v55+s10+$0x0], $0xffff  }
0x2d3: {  	v33 =	vor.u32 v45, v33;
	v51 =	vsel vm4, $0x100, v4;
	v53 =	vld.idx.msk [tilespmem:v57+s10+$0x0], $0xffff  }
0x2d4: {  	v52 =	vsel vm5, $0x100, v4;
	v10 =	vor.u32 v51, v10;
	v55 =	vand.u32 $0xFFFFFF80, v33  }
0x2d5: {  	v40 =	vor.u32 v52, v40;
	v54 =	vand.u32 $0xFFFFFF80, v10;
	v43 =	vor.u32 v27, v55  }
0x2d6: {  	v56 =	vand.u32 $0xFFFFFF80, v40;
	v45 =	vor.u32 v27, v54;
	v31 =	vsub.f32 v21, v50  }
0x2d7: {  	v46 =	vor.u32 v27, v56;
	v41 =	vsub.f32 v32, v12;
	v16 =	vsub.f32 v20, v16  }
0x2d8: {  	vm6 =	vgt.f32 v31, v5;
	v57 =	vsub.f32 v19, v53  }
0x2d9: {  	vm11 =	vgt.f32 v41, v26;
	v49 =	vsel vm6, $0x100, v4;
	vm7 =	vgt.f32 v16, v34  }
0x2da: {  	v52 =	vld.idx.msk [tilespmem:v43+s10+$0x0], $0xffff;
	v51 =	vsel vm7, $0x100, v4;
	vm8 =	vgt.f32 v57, v48;
	v1 =	vor.u32 v49, v1  }
0x2db: {  	v50 =	vld.idx.msk [tilespmem:v45+s10+$0x0], $0xffff;
	v53 =	vsel vm8, $0x100, v4;
	v8 =	vor.u32 v51, v8;
	v44 =	vand.u32 $0xFFFFFF80, v1  }
0x2dc: {  	v54 =	vld.idx.msk [tilespmem:v46+s10+$0x0], $0xffff;
	v9 =	vor.u32 v53, v9;
	v55 =	vand.u32 $0xFFFFFF80, v8;
	v44 =	vor.u32 v27, v44  }
0x2dd: {  	v51 =	vsel vm11, $0x80, v4;
	v56 =	vand.u32 $0xFFFFFF80, v9;
	v43 =	vor.u32 v27, v55  }
0x2de: {  	v42 =	vsub.f32 v15, v42;
	v39 =	vor.u32 v51, v39;
	v46 =	vor.u32 v27, v56  }
0x2df: {  	v31 =	vsub.f32 v62, v52;
	v56 =	vadd.s32 $0x30, v39  }
0x2e0: {  	vm9 =	vgt.f32 v42, v23;
	v16 =	vsub.f32 v22, v50  }
0x2e1: {  	v42 =	vsel vm9, $0x20, v4;
	v57 =	vsub.f32 v13, v54;
	vm12 =	vgt.f32 v31, v25;
	v12 =	vld.idx.msk [tilespmem:v44+s10+$0x0], $0xffff  }
0x2e2: {  	v38 =	vadd.s32 v42, v38;
	vm10 =	vgt.f32 v16, v37;
	v53 =	vsel vm12, $0x80, v4;
	v50 =	vld.idx.msk [tilespmem:v43+s10+$0x0], $0xffff  }
0x2e3: {  	vm13 =	vgt.f32 v57, v24;
	v49 =	vsel vm10, $0x80, v4;
	v33 =	vor.u32 v53, v33;
	v52 =	vld.idx.msk [tilespmem:v46+s10+$0x0], $0xffff  }
0x2e4: {  	v55 =	vsel vm13, $0x80, v4;
	v10 =	vor.u32 v49, v10;
	v57 =	vadd.s32 $0x30, v33;
	v51 =	vld.idx.msk [tilespmem:v56+s10+$0x0], $0xffff  }
0x2e5: {  	v40 =	vor.u32 v55, v40;
	v54 =	vadd.s32 $0x30, v10  }
0x2e6: {  	v49 =	vadd.s32 $0x30, v40;
	v16 =	vsub.f32 v21, v12  }
0x2e7: {  	v12 =	vld.idx.msk [tilespmem:v38+s10+$0x0], $0xffff;
	v41 =	vsub.f32 v20, v50  }
0x2e8: {  	v31 =	vsub.f32 v19, v52;
	vm14 =	vgt.f32 v16, v5  }
0x2e9: {  	v53 =	vld.idx.msk [tilespmem:v57+s10+$0x0], $0xffff;
	v42 =	vsub.f32 v32, v51;
	vm15 =	vgt.f32 v41, v34;
	v50 =	vsel vm14, $0x80, v4  }
0x2ea: {  	v16 =	vld.idx.msk [tilespmem:v54+s10+$0x0], $0xffff;
	vm4 =	vgt.f32 v31, v48;
	v52 =	vsel vm15, $0x80, v4;
	v1 =	vor.u32 v50, v1  }
0x2eb: {  	v57 =	vld.idx.msk [tilespmem:v49+s10+$0x0], $0xffff;
	v54 =	vsel vm4, $0x80, v4;
	v8 =	vor.u32 v52, v8;
	v55 =	vadd.s32 $0x30, v1  }
0x2ec: {  	v56 =	vsub.f32 v15, v12;
	v9 =	vor.u32 v54, v9;
	v12 =	vadd.s32 $0x30, v8  }
0x2ed: {  	v49 =	vadd.s32 $0x30, v9  }
0x2ee: {  	vm7 =	vgt.f32 v42, v26  }
0x2ef: {  	v42 =	vsel vm7, $0x40, v4;
	v41 =	vsub.f32 v62, v53;
	v16 =	vsub.f32 v22, v16  }
0x2f0: {  	v51 =	vsub.f32 v13, v57;
	v39 =	vadd.s32 v42, v39;
	vm5 =	vgt.f32 v56, v23;
	v50 =	vld.idx.msk [tilespmem:v55+s10+$0x0], $0xffff  }
0x2f1: {  	v42 =	vadd.s32 $0x10, v39;
	v44 =	vsel vm5, $0x10, v4;
	vm6 =	vgt.f32 v16, v37;
	v43 =	vld.idx.msk [tilespmem:v12+s10+$0x0], $0xffff  }
0x2f2: {  	vm8 =	vgt.f32 v41, v25;
	vm9 =	vgt.f32 v51, v24;
	v52 =	vsel vm6, $0x40, v4;
	v53 =	vld.idx.msk [tilespmem:v49+s10+$0x0], $0xffff  }
0x2f3: {  	v31 =	vadd.s32 v44, v38;
	v55 =	vsel vm8, $0x40, v4;
	v10 =	vadd.s32 v52, v10  }
0x2f4: {  	v56 =	vsel vm9, $0x40, v4;
	v33 =	vadd.s32 v55, v33;
	v54 =	vadd.s32 $0x10, v10  }
0x2f5: {  	v40 =	vadd.s32 v56, v40;
	v44 =	vadd.s32 $0x10, v33;
	v16 =	vsub.f32 v21, v50  }
0x2f6: {  	v45 =	vadd.s32 $0x10, v40;
	v43 =	vsub.f32 v20, v43  }
0x2f7: {  	v49 =	vld.idx.msk [tilespmem:v42+s10+$0x0], $0xffff;
	v41 =	vsub.f32 v19, v53;
	vm10 =	vgt.f32 v16, v5  }
0x2f8: {  	v28 =	vld.idx.msk [tilespmem:v31+s10+$0x0], $0xffff;
	vm11 =	vgt.f32 v43, v34;
	v12 =	vsel vm10, $0x40, v4  }
0x2f9: {  	v57 =	vld.idx.msk [tilespmem:v54+s10+$0x0], $0xffff;
	vm12 =	vgt.f32 v41, v48;
	v47 =	vsel vm11, $0x40, v4;
	v1 =	vadd.s32 v12, v1  }
0x2fa: {  	v44 =	vld.idx.msk [tilespmem:v44+s10+$0x0], $0xffff;
	v50 =	vsel vm12, $0x40, v4;
	v8 =	vadd.s32 v47, v8;
	v51 =	vadd.s32 $0x10, v1  }
0x2fb: {  	v45 =	vld.idx.msk [tilespmem:v45+s10+$0x0], $0xffff;
	v9 =	vadd.s32 v50, v9;
	v52 =	vadd.s32 $0x10, v8  }
0x2fc: {  	v36 =	vsub.f32 v58, v36;
	v38 =	vsub.f32 v32, v49;
	v53 =	vadd.s32 $0x10, v9;
	_ =	sdelay $0x1  }
0x2fd: {  	vm4 =	vgt.f32 v36, v17;
	vm15 =	vgt.f32 v38, v26;
	v16 =	vsub.f32 v22, v57  }
0x2fe: {  	v15 =	vsub.f32 v15, v28;
	v28 =	vsel vm15, $0x20, v4;
	v55 =	vsub.f32 v62, v44;
	v54 =	vld.idx.msk [tilespmem:v51+s10+$0x0], $0xffff  }
0x2ff: {  	v36 =	vadd.s32 v28, v39;
	v57 =	vsub.f32 v13, v45;
	vm14 =	vgt.f32 v16, v37;
	v42 =	vld.idx.msk [tilespmem:v52+s10+$0x0], $0xffff  }
0x300: {  	v35 =	vsub.f32 v59, v35;
	vm5 =	vgt.f32 v55, v25;
	v56 =	vsel vm14, $0x20, v4;
	v12 =	vld.idx.msk [tilespmem:v53+s10+$0x0], $0xffff  }
0x301: {  	vm6 =	vgt.f32 v57, v24;
	v44 =	vsel vm5, $0x20, v4;
	v10 =	vadd.s32 v56, v10  }
0x302: {  	v45 =	vsel vm6, $0x20, v4;
	v33 =	vadd.s32 v44, v33  }
0x303: {  	vm13 =	vgt.f32 v35, v18;
	v39 =	vadd.s32 v45, v40;
	v16 =	vsub.f32 v21, v54  }
0x304: {  	v35 =	vsel vm13, $0x10, v4;
	v46 =	vsel vm4, $0x10, v4;
	v53 =	vld.idx.msk [tilespmem:v36+s10+$0x0], $0xffff;
	v47 =	vsub.f32 v20, v42  }
0x305: {  	v29 =	vadd.s32 v46, v29;
	vm7 =	vgt.f32 v16, v5;
	v50 =	vsub.f32 v19, v12  }
0x306: {  	v30 =	vadd.s32 v35, v30;
	v49 =	vld.idx.msk [tilespmem:v10+s10+$0x0], $0xffff;
	v52 =	vsel vm7, $0x20, v4;
	vm8 =	vgt.f32 v47, v34  }
0x307: {  	v55 =	vld.idx.msk [tilespmem:v33+s10+$0x0], $0xffff;
	v1 =	vadd.s32 v52, v1;
	vm9 =	vgt.f32 v50, v48;
	v54 =	vsel vm8, $0x20, v4  }
0x308: {  	v57 =	vld.idx.msk [tilespmem:v39+s10+$0x0], $0xffff;
	v56 =	vsel vm9, $0x20, v4;
	v8 =	vadd.s32 v54, v8  }
0x309: {  	v51 =	vld.idx.msk [tilespmem:v14+s10+$0x0], $0xffff;
	v40 =	vsub.f32 v32, v53;
	v9 =	vadd.s32 v56, v9  }
0x30a: {  	v46 =	vld.idx.msk [tilespmem:v29+s10+$0x0], $0xffff  }
0x30b: {  	vm10 =	vgt.f32 v15, v23;
	v45 =	vld.idx.msk [tilespmem:v30+s10+$0x0], $0xffff;
	vm12 =	vgt.f32 v40, v26;
	v35 =	vsub.f32 v22, v49  }
0x30c: {  	v44 =	vsel vm10, $0x10, v4;
	v52 =	vsel vm12, $0x10, v4;
	v38 =	vsub.f32 v62, v55;
	v47 =	vld.idx.msk [tilespmem:v1+s10+$0x0], $0xffff  }
0x30d: {  	v15 =	vsub.f32 v13, v57;
	v36 =	vadd.s32 v52, v36;
	vm11 =	vgt.f32 v35, v37;
	v50 =	vld.idx.msk [tilespmem:v8+s10+$0x0], $0xffff  }
0x30e: {  	v11 =	vsub.f32 v11, v51;
	vm13 =	vgt.f32 v38, v25;
	v49 =	vsel vm11, $0x10, v4;
	v51 =	vld.idx.msk [tilespmem:v9+s10+$0x0], $0xffff  }
0x30f: {  	vm14 =	vgt.f32 v15, v24;
	v38 =	vsel vm13, $0x10, v4;
	v10 =	vadd.s32 v49, v10  }
0x310: {  	v23 =	vsub.f32 v59, v45;
	v15 =	vsel vm14, $0x10, v4;
	v33 =	vadd.s32 v38, v33  }
0x311: {  	v16 =	vadd.s32 v44, v31;
	v15 =	vadd.s32 v15, v39;
	v35 =	vsub.f32 v21, v47  }
0x312: {  	v31 =	vsub.f32 v58, v46;
	vm15 =	vgt.f32 v11, v60;
	v57 =	vld.idx.msk [tilespmem:v36+s10+$0x0], $0xffff;
	v53 =	vsub.f32 v20, v50  }
0x313: {  	v16 =	vshrl.u32 v16, $0x4;
	vm4 =	vgt.f32 v35, v5;
	v55 =	vsub.f32 v19, v51  }
0x314: {  	vm5 =	vgt.f32 v23, v18;
	v54 =	vld.idx.msk [tilespmem:v10+s10+$0x0], $0xffff;
	v56 =	vsel vm4, $0x10, v4;
	vm6 =	vgt.f32 v53, v34  }
0x315: {  	v60 =	vld.idx.msk [tilespmem:v33+s10+$0x0], $0xffff;
	v1 =	vadd.s32 v56, v1;
	v58 =	vsel vm6, $0x10, v4;
	vm7 =	vgt.f32 v55, v48  }
0x316: {  	vm8 =	vgt.f32 v31, v17;
	v41 =	vld.idx.msk [tilespmem:v15+s10+$0x0], $0xffff;
	v28 =	vsel vm7, $0x10, v4;
	v8 =	vadd.s32 v58, v8  }
0x317: {  	v40 =	vsel vm5, $0x10, v4;
	v44 =	vsub.f32 v32, v57;
	v9 =	vadd.s32 v28, v9  }
0x318: {  	v59 =	vsel vm15, $0x10, v4;
	v31 =	vsel vm8, $0x10, v4;
	v17 =	vadd.s32 v40, v30  }
0x319: {  	v43 =	vadd.s32 v31, v29;
	v17 =	vshrl.u32 v17, $0x4;
	vm10 =	vgt.f32 v44, v26  }
0x31a: {  	v53 =	vsel vm10, $0x10, v4;
	v28 =	vadd.s32 v59, v14;
	v11 =	vsub.f32 v22, v54;
	v45 =	vld.idx.msk [tilespmem:v1+s10+$0x0], $0xffff  }
0x31b: {  	v49 =	vsub.f32 v62, v60;
	v51 =	vsub.f32 v13, v41;
	v12 =	vadd.s32 v53, v36;
	v50 =	vld.idx.msk [tilespmem:v8+s10+$0x0], $0xffff  }
0x31c: {  	s14 =	sadd.s32 $0x40, s16;
	v46 =	vshrl.u32 v43, $0x4;
	v42 =	vshrl.u32 v28, $0x4;
	v12 =	vshrl.u32 v12, $0x4;
	v52 =	vld.idx.msk [tilespmem:v9+s10+$0x0], $0xffff  }
0x31d: {  	[tilespmem:s14+$0x10] =	vst v16;
	vm9 =	vgt.f32 v11, v37;
	vm11 =	vgt.f32 v49, v25;
	vm12 =	vgt.f32 v51, v24  }
0x31e: {  	[tilespmem:s15+$0xFFFFFFF0] =	vst v17;
	v47 =	vsel vm9, $0x10, v4;
	v54 =	vsel vm11, $0x10, v4;
	v55 =	vsel vm12, $0x10, v4  }
0x31f: {  	[tilespmem:s15+$0x0] =	vst v46;
	v10 =	vadd.s32 v47, v10;
	v13 =	vadd.s32 v54, v33;
	v14 =	vsub.f32 v21, v45  }
0x320: {  	[tilespmem:s15+$0xFFFFFFE0] =	vst v42;
	v15 =	vadd.s32 v55, v15;
	v10 =	vshrl.u32 v10, $0x4;
	v56 =	vsub.f32 v20, v50  }
0x321: {  	s31 =	sadd.s32 $0x40, s14;
	[tilespmem:s14+$0xFFFFFFE0] =	vst v12;
	v57 =	vshrl.u32 v13, $0x4;
	v11 =	vsub.f32 v19, v52;
	vm13 =	vgt.f32 v14, v5  }
0x322: {  	v58 =	vshrl.u32 v15, $0x4;
	[tilespmem:s31+$0x10] =	vst v10;
	vm14 =	vgt.f32 v56, v34;
	v59 =	vsel vm13, $0x10, v4  }
0x323: {  	[tilespmem:s14+$0xFFFFFFF0] =	vst v57;
	vm15 =	vgt.f32 v11, v48;
	v60 =	vsel vm14, $0x10, v4;
	v1 =	vadd.s32 v59, v1  }
0x324: {  	[tilespmem:s14+$0x0] =	vst v58;
	v8 =	vadd.s32 v60, v8;
	v62 =	vsel vm15, $0x10, v4;
	v1 =	vshrl.u32 v1, $0x4  }
0x325: {  	s13 =	sadd.s32 $0x1, s13;
	v9 =	vadd.s32 v62, v9;
	[tilespmem:s31+$0xFFFFFFE0] =	vst v1;
	v1 =	vshrl.u32 v8, $0x4  }
0x326: {  	p0 =	sne.s32 s13, s6;
	[tilespmem:s31+$0xFFFFFFF0] =	vst v1;
	v1 =	vshrl.u32 v9, $0x4  }
.Ltmp2:
0x327: {  	[tilespmem:s31+$0x0] =	vst v1;
	(pc) =	sbr.rel @p0 .LBB2_1-.Ltmp2, $4  }
0x328: {  	[hbm4b:s5+s3] =	stream.linear.scatter [tilespmem:s11], [sflag:$0x3], $0x800, $0x38;
	[tilespmem:$0x5400] =	vst v63  }
0x329: {  	_ =	swait.ge [sflag:s12], $0x800  }
0x32a: {  	[sflag:s12] =	ssyncset.done $0x0  }
0x32b: {  	v5 =	vmov v27;
	v1 =	vmov v6;
	[sflag:s12] =	ssyncadd.s32 $0xFFFFF800  }
0x32c: {  	_ =	sfence.sel $0x180000  }
0x32d: {  	[bflag:$0x0] =	sbarrier.arrive $0xFFFF  }
0x32e: {  	p0 =	sne.s32 s2, $0x0;
	_ =	strace $0x90000047  }
0x32f: {  	s0 =	sadd.s32 @!p0 $0x100000, s0;
	[bflag:$0x2] =	sbarrier.arrive $0xFFFF  }
0x330: {  	[sflag:s0] =	ssyncadd.tile.s32 @!p0 $0x1;
	_ =	shalt  }
.Lfunc_end2:
_tile_overlayer_lowered:
.L_overlay_start_2:
0x331: {  	(tag) =	ssettag $0x2  }
0x332: {  	s0 =	rddreg [dreg:$0x0];
	s2 =	stileid.u32  }
0x333: {  	s1 =	rddreg [dreg:$0x1];
	p0 =	sne.s32 s2, $0x0  }
0x334: {  	s3 =	rddreg [dreg:$0x2];
	[bflag:$0x3] =	sbarrier.arrive $0xFFFF;
	s2 =	simm.s32 @!p0 $0x1C03  }
0x335: {  	[timem:s3], [sflag:s2] =	dma.local @!p0 [hbm:s0], s1  }
0x336: {  	s0 =	simm.s32 @!p0 $0x3  }
0x337: {  	_ =	swait.ge @!p0 [sflag:s0], s1  }
0x338: {  	s1 =	ssub.s32 @!p0 $0x0, s1;
	[sflag:s0] =	ssyncset.done @!p0 $0x0  }
0x339: {  	[sflag:s0] =	ssyncadd.s32 @!p0 s1  }
0x33a: {  	[bflag:$0x3] =	sbarrier.arrive $0xFFFF  }
0x33b: {  	_ =	shalt  }

</sc_bundles>
